<compile_context>
chip_gen: v7x
topology: tpu7x:2x2x1
jax: 0.10.2.dev20260603
libtpu: 0.0.44.dev20260713+nightly
codegen_flags: <defaults>
</compile_context>

<pallas_src>
import functools

import jax
import jax.numpy as jnp
from jax import lax
from jax.experimental import pallas as pl
from jax.experimental.pallas import tpu as pltpu
from jax.experimental.pallas import tpu_sc as plsc

N_NODES = 10000
N_PAD = 10240
NC, NS = 2, 16
NW = NC * NS
CHUNK = 128
CPT = 80
EPT = CHUNK * CPT
E_PAD = EPT * NW
ROWS_PT = N_PAD // NS
DEG_W = 8

_mesh = functools.partial(
    plsc.VectorSubcoreMesh,
    core_axis_name="c", subcore_axis_name="s",
    num_cores=NC, num_subcores=NS,
)


def _deg_body(src_hbm, dst_hbm, out_hbm, src_v, dst_v, hist_src, hist_dst):
    c = lax.axis_index("c")
    s = lax.axis_index("s")
    wid = s * NC + c
    pltpu.sync_copy(src_hbm.at[pl.ds(wid * CPT, CPT)], src_v)
    pltpu.sync_copy(dst_hbm.at[pl.ds(wid * CPT, CPT)], dst_v)

    zv = jnp.zeros((16,), jnp.float32)

    def zloop(i, carry):
        hist_src[pl.ds(i * 16, 16)] = zv
        hist_dst[pl.ds(i * 16, 16)] = zv
        return carry

    lax.fori_loop(0, N_PAD // 16, zloop, 0)

    ones_v = jnp.ones((16,), jnp.float32)

    def eloop(j, carry):
        def klf(k, carry2):
            plsc.addupdate_scatter(hist_src, [src_v[j, pl.ds(k * 16, 16)]],
                                   ones_v)
            plsc.addupdate_scatter(hist_dst, [dst_v[j, pl.ds(k * 16, 16)]],
                                   ones_v)
            return carry2

        return lax.fori_loop(0, CHUNK // 16, klf, carry)

    lax.fori_loop(0, CPT, eloop, 0)
    pltpu.sync_copy(hist_src, out_hbm.at[c, s, 0])
    pltpu.sync_copy(hist_dst, out_hbm.at[c, s, 1])


def _make_deg_kernel():
    return pl.kernel(
        _deg_body,
        out_type=jax.ShapeDtypeStruct((NC, NS, 2, N_PAD), jnp.float32),
        mesh=_mesh(),
        compiler_params=pltpu.CompilerParams(needs_layout_passes=False),
        scratch_types=[
            pltpu.VMEM((CPT, CHUNK), jnp.int32),
            pltpu.VMEM((CPT, CHUNK), jnp.int32),
            pltpu.VMEM((N_PAD,), jnp.float32),
            pltpu.VMEM((N_PAD,), jnp.float32),
        ],
    )


def _agg_body(y_hbm, src_hbm, dst_hbm, zeros_hbm, out_hbm,
              src_v, dst_v, gb0, zer_v, acc, sem0):
    c = lax.axis_index("c")
    s = lax.axis_index("s")
    wid = s * NC + c
    pltpu.sync_copy(src_hbm.at[pl.ds(wid * CPT, CPT)], src_v)
    pltpu.sync_copy(dst_hbm.at[pl.ds(wid * CPT, CPT)], dst_v)
    pltpu.sync_copy(zeros_hbm, zer_v)
    base = s * ROWS_PT

    def zloop(i, carry):
        pltpu.sync_copy(zer_v, acc.at[pl.ds(base + i * CHUNK, CHUNK)])
        return carry

    lax.fori_loop(0, ROWS_PT // CHUNK, zloop, 0)
    plsc.subcore_barrier()

    def eloop(j, carry):
        pltpu.async_copy(y_hbm.at[src_v.at[j]], gb0, sem0).wait()
        pltpu.sync_copy(gb0, acc.at[dst_v.at[j]], add=True)
        return carry

    lax.fori_loop(0, CPT, eloop, 0)
    plsc.subcore_barrier()
    pltpu.sync_copy(acc.at[pl.ds(base, ROWS_PT)],
                    out_hbm.at[c, pl.ds(base, ROWS_PT)])


def _make_agg_kernel(d):
    return pl.kernel(
        _agg_body,
        out_type=jax.ShapeDtypeStruct((NC, N_PAD, d), jnp.float32),
        mesh=_mesh(),
        compiler_params=pltpu.CompilerParams(use_tc_tiling_on_sc=False),
        scratch_types=[
            pltpu.VMEM((CPT, CHUNK), jnp.int32),
            pltpu.VMEM((CPT, CHUNK), jnp.int32),
            pltpu.VMEM((CHUNK, d), jnp.float32),
            pltpu.VMEM((CHUNK, d), jnp.float32),
            pltpu.VMEM_SHARED((N_PAD, d), jnp.float32),
            pltpu.SemaphoreType.DMA,
        ],
    )


def _tc_a_body(x_ref, w1_ref, deg_ref, y1a_ref, y1b_ref, norms_ref):
    deg = jnp.sum(deg_ref[...], axis=(0, 1))
    norms = lax.rsqrt(jnp.maximum(deg, 1.0))
    norms_ref[...] = norms
    xs = x_ref[...] * norms[0][:, None]
    y1 = jnp.dot(xs, w1_ref[...], preferred_element_type=jnp.float32)
    half = y1.shape[1] // 2
    y1a_ref[...] = y1[:, :half]
    y1b_ref[...] = y1[:, half:]


def _tc_b_body(agga_ref, aggb_ref, norms_ref, b1_ref, w2_ref, y2_ref):
    agg = jnp.concatenate(
        [agga_ref[0] + agga_ref[1], aggb_ref[0] + aggb_ref[1]], axis=1)
    norms = norms_ref[...]
    h = jnp.maximum(agg * norms[1][:, None] + b1_ref[...], 0.0)
    y2_ref[...] = jnp.dot(h * norms[0][:, None], w2_ref[...],
                          preferred_element_type=jnp.float32)


def _tc_c_body(agg_ref, norms_ref, b2_ref, out_ref):
    agg = agg_ref[0] + agg_ref[1]
    res = agg * norms_ref[1][:, None] + b2_ref[...]
    out_ref[...] = res[:N_NODES]


@jax.jit
def kernel(in_feat, edge_index, W1, b1, W2, b2):
    f32 = jnp.float32
    src = edge_index[0].astype(jnp.int32)
    dst = edge_index[1].astype(jnp.int32)
    n_extra = E_PAD - src.shape[0]
    pad_idx = N_NODES + (jnp.arange(n_extra, dtype=jnp.int32) % CHUNK)
    src_p = jnp.concatenate([src, pad_idx]).reshape(NW * CPT, CHUNK)
    dst_p = jnp.concatenate([dst, pad_idx]).reshape(NW * CPT, CHUNK)

    xp = jnp.concatenate(
        [in_feat, jnp.zeros((N_PAD - N_NODES, in_feat.shape[1]), f32)])

    half = W1.shape[1] // 2
    zeros64 = jnp.zeros((CHUNK, half), f32)

    deg = _make_deg_kernel()(src_p, dst_p)

    y1a, y1b, norms = pl.pallas_call(
        _tc_a_body,
        out_shape=(
            jax.ShapeDtypeStruct((N_PAD, half), f32),
            jax.ShapeDtypeStruct((N_PAD, half), f32),
            jax.ShapeDtypeStruct((2, N_PAD), f32),
        ),
    )(xp, W1, deg)

    agg = _make_agg_kernel(half)
    agg1a = agg(y1a, src_p, dst_p, zeros64)
    agg1b = agg(y1b, src_p, dst_p, zeros64)

    y2 = pl.pallas_call(
        _tc_b_body,
        out_shape=jax.ShapeDtypeStruct((N_PAD, W2.shape[1]), f32),
    )(agg1a, agg1b, norms, b1.reshape(1, -1), W2)

    agg2 = agg(y2, src_p, dst_p, zeros64)

    out = pl.pallas_call(
        _tc_c_body,
        out_shape=jax.ShapeDtypeStruct((N_NODES, W2.shape[1]), f32),
    )(agg2, norms, b2.reshape(1, -1))
    return out

# --- scband reference (transcript-rebuilt; emitter-appended) ---
"""Pipeline reference for scband-gcn-266287972964 (READ-ONLY COPY).

The authoritative reference and input builder live on the scoring server;
editing this copy changes nothing except your own understanding.
"""

import jax, jax.numpy as jnp
import numpy as np

N_NODES = 10000
N_EDGES = 320000
IN_FEATS = 128
H_FEATS = 128
NUM_CLASSES = 64


def setup_inputs(seed: int = 0) -> dict:
    key = jax.random.key(seed)
    k1, k2, k3, k4, k5, k6 = jax.random.split(key, 6)
    in_feat = jax.random.normal(k1, (N_NODES, IN_FEATS), dtype=jnp.float32)
    edge_index = jax.random.randint(k2, (2, N_EDGES), 0, N_NODES)
    # GraphConv layer parameters (glorot-uniform style init)
    s1 = float(np.sqrt(6.0 / (IN_FEATS + H_FEATS)))
    W1 = jax.random.uniform(k3, (IN_FEATS, H_FEATS), minval=-s1, maxval=s1, dtype=jnp.float32)
    b1 = jnp.zeros((H_FEATS,), dtype=jnp.float32)
    s2 = float(np.sqrt(6.0 / (H_FEATS + NUM_CLASSES)))
    W2 = jax.random.uniform(k4, (H_FEATS, NUM_CLASSES), minval=-s2, maxval=s2, dtype=jnp.float32)
    b2 = jnp.zeros((NUM_CLASSES,), dtype=jnp.float32)
    return {"in_feat": in_feat, "edge_index": edge_index, "W1": W1, "b1": b1, "W2": W2, "b2": b2}


def _graph_conv(x, src, dst, n_nodes, W, b):
    # DGL GraphConv with norm='both': h = D_in^{-1/2} A D_out^{-1/2} x W + b
    ones = jnp.ones((src.shape[0],), dtype=x.dtype)
    deg_out = jax.ops.segment_sum(ones, src, num_segments=n_nodes)
    deg_in = jax.ops.segment_sum(ones, dst, num_segments=n_nodes)
    norm_src = jax.lax.rsqrt(jnp.clip(deg_out, 1.0, None))
    norm_dst = jax.lax.rsqrt(jnp.clip(deg_in, 1.0, None))
    m = x * norm_src[:, None]
    gathered = jnp.take(m, src, axis=0)
    agg = jax.ops.segment_sum(gathered, dst, num_segments=n_nodes)
    h = agg * norm_dst[:, None]
    return h @ W + b


def reference(in_feat, edge_index, W1, b1, W2, b2):
    src = edge_index[0]
    dst = edge_index[1]
    n = in_feat.shape[0]
    h = _graph_conv(in_feat, src, dst, n, W1, b1)
    h = jax.nn.relu(h)
    h = _graph_conv(h, src, dst, n, W2, b2)
    return h

if __name__ == "__main__":
    import jax
    _d = setup_inputs()
    print(jax.jit(kernel)(*tuple(_d.values())))

</pallas_src>

<mosaic_0001>
#map = affine_map<(d0, d1) -> (0, 0)>
#map1 = affine_map<(d0, d1) -> (0, 0, 0, 0)>
module attributes {stable_mosaic.version = 14 : i64} {
  func.func @_deg_body(%arg0: i32, %arg1: i32, %arg2: memref<2560x128xi32, #tpu.memory_space<hbm>>, %arg3: memref<2560x128xi32, #tpu.memory_space<hbm>>, %arg4: memref<2x16x2x10240xf32, #tpu.memory_space<hbm>>, %arg5: memref<80x128xi32, #tpu.memory_space<vmem>>, %arg6: memref<80x128xi32, #tpu.memory_space<vmem>>, %arg7: memref<10240xf32, #tpu.memory_space<vmem>>, %arg8: memref<10240xf32, #tpu.memory_space<vmem>>) attributes {dimension_semantics = [#tpu.dimension_semantics<core_parallel>, #tpu.dimension_semantics<subcore_parallel>], iteration_bounds = array<i64: 2, 16>, scalar_prefetch = 0 : i64, scratch_operands = 4 : i64, tpu.core_type = #tpu.core_type<sc_vector_subcore>, window_params = [{transform_indices = #map}, {transform_indices = #map}, {transform_indices = #map1}]} {
    %mul3A = arith.constant 2 : i32
    %mul3A_0 = arith.muli %arg1, %mul3A : i32
    %add3A = arith.addi %mul3A_0, %arg0 : i32
    %mul3A_1 = arith.constant 80 : i32
    %mul3A_2 = arith.muli %add3A, %mul3A_1 : i32
    "tpu.region"() ({
      %run_scoped3A_20 = tpu.sem_alloc : memref<!tpu.dma_semaphore, #tpu.memory_space<semaphore_mem>>
      %dma_start3A = arith.constant 0 : i32
      %dma_start3A_21 = tpu.memref_slice %arg2[%mul3A_2, %dma_start3A] : memref<2560x128xi32, #tpu.memory_space<hbm>> -> memref<80x128xi32, #tpu.memory_space<hbm>>
      %dma_start3A_22 = arith.constant 0 : i32
      %dma_start3A_23 = tpu.memref_slice %arg2[%mul3A_2, %dma_start3A_22] : memref<2560x128xi32, #tpu.memory_space<hbm>> -> memref<80x128xi32, #tpu.memory_space<hbm>>
      tpu.enqueue_dma source(%dma_start3A_23 : memref<80x128xi32, #tpu.memory_space<hbm>>) target(%arg5 : memref<80x128xi32, #tpu.memory_space<vmem>>) target_semaphore(%run_scoped3A_20 : memref<!tpu.dma_semaphore, #tpu.memory_space<semaphore_mem>>)
      %dma_wait3A = arith.constant 0 : i32
      %dma_wait3A_24 = tpu.memref_slice %arg2[%mul3A_2, %dma_wait3A] : memref<2560x128xi32, #tpu.memory_space<hbm>> -> memref<80x128xi32, #tpu.memory_space<hbm>>
      %dma_wait3A_25 = arith.constant 0 : i32
      %dma_wait3A_26 = tpu.memref_slice %arg2[%mul3A_2, %dma_wait3A_25] : memref<2560x128xi32, #tpu.memory_space<hbm>> -> memref<80x128xi32, #tpu.memory_space<hbm>>
      tpu.wait_dma2 semaphore(%run_scoped3A_20 : memref<!tpu.dma_semaphore, #tpu.memory_space<semaphore_mem>>) src(%dma_wait3A_26 : memref<80x128xi32, #tpu.memory_space<hbm>>) dst(%arg5 : memref<80x128xi32, #tpu.memory_space<vmem>>)
      tpu.yield
    }) : () -> ()
    %mul3A_3 = arith.constant 80 : i32
    %mul3A_4 = arith.muli %add3A, %mul3A_3 : i32
    "tpu.region"() ({
      %run_scoped3A_20 = tpu.sem_alloc : memref<!tpu.dma_semaphore, #tpu.memory_space<semaphore_mem>>
      %dma_start3A = arith.constant 0 : i32
      %dma_start3A_21 = tpu.memref_slice %arg3[%mul3A_4, %dma_start3A] : memref<2560x128xi32, #tpu.memory_space<hbm>> -> memref<80x128xi32, #tpu.memory_space<hbm>>
      %dma_start3A_22 = arith.constant 0 : i32
      %dma_start3A_23 = tpu.memref_slice %arg3[%mul3A_4, %dma_start3A_22] : memref<2560x128xi32, #tpu.memory_space<hbm>> -> memref<80x128xi32, #tpu.memory_space<hbm>>
      tpu.enqueue_dma source(%dma_start3A_23 : memref<80x128xi32, #tpu.memory_space<hbm>>) target(%arg6 : memref<80x128xi32, #tpu.memory_space<vmem>>) target_semaphore(%run_scoped3A_20 : memref<!tpu.dma_semaphore, #tpu.memory_space<semaphore_mem>>)
      %dma_wait3A = arith.constant 0 : i32
      %dma_wait3A_24 = tpu.memref_slice %arg3[%mul3A_4, %dma_wait3A] : memref<2560x128xi32, #tpu.memory_space<hbm>> -> memref<80x128xi32, #tpu.memory_space<hbm>>
      %dma_wait3A_25 = arith.constant 0 : i32
      %dma_wait3A_26 = tpu.memref_slice %arg3[%mul3A_4, %dma_wait3A_25] : memref<2560x128xi32, #tpu.memory_space<hbm>> -> memref<80x128xi32, #tpu.memory_space<hbm>>
      tpu.wait_dma2 semaphore(%run_scoped3A_20 : memref<!tpu.dma_semaphore, #tpu.memory_space<semaphore_mem>>) src(%dma_wait3A_26 : memref<80x128xi32, #tpu.memory_space<hbm>>) dst(%arg6 : memref<80x128xi32, #tpu.memory_space<vmem>>)
      tpu.yield
    }) : () -> ()
    %broadcast_in_dim3A = arith.constant 0.000000e+00 : f32
    %broadcast_in_dim3A_5 = vector.broadcast %broadcast_in_dim3A : f32 to vector<16xf32>
    %scan3A = arith.constant 0 : i32
    %scan3A_6 = arith.constant 0 : i32
    %scan3A_7 = arith.constant 640 : i32
    %scan3A_8 = arith.addi %scan3A_6, %scan3A_7 : i32
    %scan3A_9 = arith.constant 1 : i32
    scf.for %scan3A_20 = %scan3A_6 to %scan3A_8 step %scan3A_9  : i32 {
      %mul3A_21 = arith.constant 16 : i32
      %mul3A_22 = arith.muli %scan3A_20, %mul3A_21 : i32
      %swap3A = arith.index_cast %mul3A_22 : i32 to index
      %swap3A_23 = tpu.vector_load %arg7[%swap3A] {strides = array<i32>} : memref<10240xf32, #tpu.memory_space<vmem>>, vector<16xf32>,
      tpu.vector_store %arg7[%swap3A], %broadcast_in_dim3A_5 {strides = array<i32>} : memref<10240xf32, #tpu.memory_space<vmem>>, vector<16xf32>,
      %mul3A_24 = arith.constant 16 : i32
      %mul3A_25 = arith.muli %scan3A_20, %mul3A_24 : i32
      %swap3A_26 = arith.index_cast %mul3A_25 : i32 to index
      %swap3A_27 = tpu.vector_load %arg8[%swap3A_26] {strides = array<i32>} : memref<10240xf32, #tpu.memory_space<vmem>>, vector<16xf32>,
      tpu.vector_store %arg8[%swap3A_26], %broadcast_in_dim3A_5 {strides = array<i32>} : memref<10240xf32, #tpu.memory_space<vmem>>, vector<16xf32>,
    }
    %scan3A_10 = arith.constant 640 : i32
    %broadcast_in_dim3A_11 = arith.constant 1.000000e+00 : f32
    %broadcast_in_dim3A_12 = vector.broadcast %broadcast_in_dim3A_11 : f32 to vector<16xf32>
    %scan3A_13 = arith.constant 0 : i32
    %scan3A_14 = arith.constant 0 : i32
    %scan3A_15 = arith.constant 80 : i32
    %scan3A_16 = arith.addi %scan3A_14, %scan3A_15 : i32
    %scan3A_17 = arith.constant 1 : i32
    scf.for %scan3A_20 = %scan3A_14 to %scan3A_16 step %scan3A_17  : i32 {
      %scan3A_21 = arith.constant 0 : i32
      %scan3A_22 = arith.constant 8 : i32
      %scan3A_23 = arith.addi %scan3A_21, %scan3A_22 : i32
      %scan3A_24 = arith.constant 1 : i32
      scf.for %scan3A_26 = %scan3A_21 to %scan3A_23 step %scan3A_24  : i32 {
        %mul3A_27 = arith.constant 16 : i32
        %mul3A_28 = arith.muli %scan3A_26, %mul3A_27 : i32
        %get3A = arith.index_cast %scan3A_20 : i32 to index
        %get3A_29 = arith.index_cast %mul3A_28 : i32 to index
        %get3A_30 = tpu.vector_load %arg5[%get3A, %get3A_29] {strides = array<i32>} : memref<80x128xi32, #tpu.memory_space<vmem>>, vector<16xi32>,
        tpu.vector_store_idx %arg7[%get3A_30], %broadcast_in_dim3A_12 {add = true} : memref<10240xf32, #tpu.memory_space<vmem>>[vector<16xi32>], vector<16xf32>,
        %mul3A_31 = arith.constant 16 : i32
        %mul3A_32 = arith.muli %scan3A_26, %mul3A_31 : i32
        %get3A_33 = arith.index_cast %scan3A_20 : i32 to index
        %get3A_34 = arith.index_cast %mul3A_32 : i32 to index
        %get3A_35 = tpu.vector_load %arg6[%get3A_33, %get3A_34] {strides = array<i32>} : memref<80x128xi32, #tpu.memory_space<vmem>>, vector<16xi32>,
        tpu.vector_store_idx %arg8[%get3A_35], %broadcast_in_dim3A_12 {add = true} : memref<10240xf32, #tpu.memory_space<vmem>>[vector<16xi32>], vector<16xf32>,
      }
      %scan3A_25 = arith.constant 8 : i32
    }
    %scan3A_18 = arith.constant 80 : i32
    %run_scoped3A = arith.constant 0 : i32
    "tpu.region"() ({
      %run_scoped3A_20 = tpu.sem_alloc : memref<!tpu.dma_semaphore, #tpu.memory_space<semaphore_mem>>
      %dma_start3A = arith.constant 0 : i32
      %dma_start3A_21 = tpu.memref_slice %arg4[%arg0, %arg1, %run_scoped3A, %dma_start3A] : memref<2x16x2x10240xf32, #tpu.memory_space<hbm>> -> memref<1x1x1x10240xf32, #tpu.memory_space<hbm>>
      %dma_start3A_22 = tpu.memref_squeeze %dma_start3A_21 : memref<1x1x1x10240xf32, #tpu.memory_space<hbm>> -> memref<10240xf32, #tpu.memory_space<hbm>>
      %dma_start3A_23 = arith.constant 0 : i32
      %dma_start3A_24 = tpu.memref_slice %arg4[%arg0, %arg1, %run_scoped3A, %dma_start3A_23] : memref<2x16x2x10240xf32, #tpu.memory_space<hbm>> -> memref<1x1x1x10240xf32, #tpu.memory_space<hbm>>
      %dma_start3A_25 = tpu.memref_squeeze %dma_start3A_24 : memref<1x1x1x10240xf32, #tpu.memory_space<hbm>> -> memref<10240xf32, #tpu.memory_space<hbm>>
      tpu.enqueue_dma source(%arg7 : memref<10240xf32, #tpu.memory_space<vmem>>) target(%dma_start3A_25 : memref<10240xf32, #tpu.memory_space<hbm>>) target_semaphore(%run_scoped3A_20 : memref<!tpu.dma_semaphore, #tpu.memory_space<semaphore_mem>>)
      %dma_wait3A = arith.constant 0 : i32
      %dma_wait3A_26 = tpu.memref_slice %arg4[%arg0, %arg1, %run_scoped3A, %dma_wait3A] : memref<2x16x2x10240xf32, #tpu.memory_space<hbm>> -> memref<1x1x1x10240xf32, #tpu.memory_space<hbm>>
      %dma_wait3A_27 = tpu.memref_squeeze %dma_wait3A_26 : memref<1x1x1x10240xf32, #tpu.memory_space<hbm>> -> memref<10240xf32, #tpu.memory_space<hbm>>
      %dma_wait3A_28 = arith.constant 0 : i32
      %dma_wait3A_29 = tpu.memref_slice %arg4[%arg0, %arg1, %run_scoped3A, %dma_wait3A_28] : memref<2x16x2x10240xf32, #tpu.memory_space<hbm>> -> memref<1x1x1x10240xf32, #tpu.memory_space<hbm>>
      %dma_wait3A_30 = tpu.memref_squeeze %dma_wait3A_29 : memref<1x1x1x10240xf32, #tpu.memory_space<hbm>> -> memref<10240xf32, #tpu.memory_space<hbm>>
      tpu.wait_dma2 semaphore(%run_scoped3A_20 : memref<!tpu.dma_semaphore, #tpu.memory_space<semaphore_mem>>) src(%arg7 : memref<10240xf32, #tpu.memory_space<vmem>>) dst(%dma_wait3A_30 : memref<10240xf32, #tpu.memory_space<hbm>>)
      tpu.yield
    }) : () -> ()
    %run_scoped3A_19 = arith.constant 1 : i32
    "tpu.region"() ({
      %run_scoped3A_20 = tpu.sem_alloc : memref<!tpu.dma_semaphore, #tpu.memory_space<semaphore_mem>>
      %dma_start3A = arith.constant 0 : i32
      %dma_start3A_21 = tpu.memref_slice %arg4[%arg0, %arg1, %run_scoped3A_19, %dma_start3A] : memref<2x16x2x10240xf32, #tpu.memory_space<hbm>> -> memref<1x1x1x10240xf32, #tpu.memory_space<hbm>>
      %dma_start3A_22 = tpu.memref_squeeze %dma_start3A_21 : memref<1x1x1x10240xf32, #tpu.memory_space<hbm>> -> memref<10240xf32, #tpu.memory_space<hbm>>
      %dma_start3A_23 = arith.constant 0 : i32
      %dma_start3A_24 = tpu.memref_slice %arg4[%arg0, %arg1, %run_scoped3A_19, %dma_start3A_23] : memref<2x16x2x10240xf32, #tpu.memory_space<hbm>> -> memref<1x1x1x10240xf32, #tpu.memory_space<hbm>>
      %dma_start3A_25 = tpu.memref_squeeze %dma_start3A_24 : memref<1x1x1x10240xf32, #tpu.memory_space<hbm>> -> memref<10240xf32, #tpu.memory_space<hbm>>
      tpu.enqueue_dma source(%arg8 : memref<10240xf32, #tpu.memory_space<vmem>>) target(%dma_start3A_25 : memref<10240xf32, #tpu.memory_space<hbm>>) target_semaphore(%run_scoped3A_20 : memref<!tpu.dma_semaphore, #tpu.memory_space<semaphore_mem>>)
      %dma_wait3A = arith.constant 0 : i32
      %dma_wait3A_26 = tpu.memref_slice %arg4[%arg0, %arg1, %run_scoped3A_19, %dma_wait3A] : memref<2x16x2x10240xf32, #tpu.memory_space<hbm>> -> memref<1x1x1x10240xf32, #tpu.memory_space<hbm>>
      %dma_wait3A_27 = tpu.memref_squeeze %dma_wait3A_26 : memref<1x1x1x10240xf32, #tpu.memory_space<hbm>> -> memref<10240xf32, #tpu.memory_space<hbm>>
      %dma_wait3A_28 = arith.constant 0 : i32
      %dma_wait3A_29 = tpu.memref_slice %arg4[%arg0, %arg1, %run_scoped3A_19, %dma_wait3A_28] : memref<2x16x2x10240xf32, #tpu.memory_space<hbm>> -> memref<1x1x1x10240xf32, #tpu.memory_space<hbm>>
      %dma_wait3A_30 = tpu.memref_squeeze %dma_wait3A_29 : memref<1x1x1x10240xf32, #tpu.memory_space<hbm>> -> memref<10240xf32, #tpu.memory_space<hbm>>
      tpu.wait_dma2 semaphore(%run_scoped3A_20 : memref<!tpu.dma_semaphore, #tpu.memory_space<semaphore_mem>>) src(%arg8 : memref<10240xf32, #tpu.memory_space<vmem>>) dst(%dma_wait3A_30 : memref<10240xf32, #tpu.memory_space<hbm>>)
      tpu.yield
    }) : () -> ()
    return
  }
}

#map = affine_map<(d0, d1) -> (0, 0)>
#map1 = affine_map<(d0, d1) -> (0, 0, 0)>
module attributes {stable_mosaic.version = 14 : i64} {
  func.func @_agg_body(%arg0: i32, %arg1: i32, %arg2: memref<10240x64xf32, #tpu.memory_space<hbm>>, %arg3: memref<2560x128xi32, #tpu.memory_space<hbm>>, %arg4: memref<2560x128xi32, #tpu.memory_space<hbm>>, %arg5: memref<128x64xf32, #tpu.memory_space<hbm>>, %arg6: memref<2x10240x64xf32, #tpu.memory_space<hbm>>, %arg7: memref<80x128xi32, #tpu.memory_space<vmem>>, %arg8: memref<80x128xi32, #tpu.memory_space<vmem>>, %arg9: memref<128x64xf32, #tpu.memory_space<vmem>>, %arg10: memref<128x64xf32, #tpu.memory_space<vmem>>, %arg11: memref<10240x64xf32, #tpu.memory_space<vmem_shared>>, %arg12: memref<!tpu.dma_semaphore, #tpu.memory_space<semaphore_mem>>) attributes {dimension_semantics = [#tpu.dimension_semantics<core_parallel>, #tpu.dimension_semantics<subcore_parallel>], iteration_bounds = array<i64: 2, 16>, scalar_prefetch = 0 : i64, scratch_operands = 6 : i64, tpu.core_type = #tpu.core_type<sc_vector_subcore>, window_params = [{transform_indices = #map}, {transform_indices = #map}, {transform_indices = #map}, {transform_indices = #map}, {transform_indices = #map1}]} {
    %mul3A = arith.constant 2 : i32
    %mul3A_0 = arith.muli %arg1, %mul3A : i32
    %add3A = arith.addi %mul3A_0, %arg0 : i32
    %mul3A_1 = arith.constant 80 : i32
    %mul3A_2 = arith.muli %add3A, %mul3A_1 : i32
    "tpu.region"() ({
      %run_scoped3A = tpu.sem_alloc : memref<!tpu.dma_semaphore, #tpu.memory_space<semaphore_mem>>
      %dma_start3A = arith.constant 0 : i32
      %dma_start3A_19 = tpu.memref_slice %arg3[%mul3A_2, %dma_start3A] : memref<2560x128xi32, #tpu.memory_space<hbm>> -> memref<80x128xi32, #tpu.memory_space<hbm>>
      %dma_start3A_20 = arith.constant 0 : i32
      %dma_start3A_21 = tpu.memref_slice %arg3[%mul3A_2, %dma_start3A_20] : memref<2560x128xi32, #tpu.memory_space<hbm>> -> memref<80x128xi32, #tpu.memory_space<hbm>>
      tpu.enqueue_dma source(%dma_start3A_21 : memref<80x128xi32, #tpu.memory_space<hbm>>) target(%arg7 : memref<80x128xi32, #tpu.memory_space<vmem>>) target_semaphore(%run_scoped3A : memref<!tpu.dma_semaphore, #tpu.memory_space<semaphore_mem>>)
      %dma_wait3A = arith.constant 0 : i32
      %dma_wait3A_22 = tpu.memref_slice %arg3[%mul3A_2, %dma_wait3A] : memref<2560x128xi32, #tpu.memory_space<hbm>> -> memref<80x128xi32, #tpu.memory_space<hbm>>
      %dma_wait3A_23 = arith.constant 0 : i32
      %dma_wait3A_24 = tpu.memref_slice %arg3[%mul3A_2, %dma_wait3A_23] : memref<2560x128xi32, #tpu.memory_space<hbm>> -> memref<80x128xi32, #tpu.memory_space<hbm>>
      tpu.wait_dma2 semaphore(%run_scoped3A : memref<!tpu.dma_semaphore, #tpu.memory_space<semaphore_mem>>) src(%dma_wait3A_24 : memref<80x128xi32, #tpu.memory_space<hbm>>) dst(%arg7 : memref<80x128xi32, #tpu.memory_space<vmem>>)
      tpu.yield
    }) : () -> ()
    %mul3A_3 = arith.constant 80 : i32
    %mul3A_4 = arith.muli %add3A, %mul3A_3 : i32
    "tpu.region"() ({
      %run_scoped3A = tpu.sem_alloc : memref<!tpu.dma_semaphore, #tpu.memory_space<semaphore_mem>>
      %dma_start3A = arith.constant 0 : i32
      %dma_start3A_19 = tpu.memref_slice %arg4[%mul3A_4, %dma_start3A] : memref<2560x128xi32, #tpu.memory_space<hbm>> -> memref<80x128xi32, #tpu.memory_space<hbm>>
      %dma_start3A_20 = arith.constant 0 : i32
      %dma_start3A_21 = tpu.memref_slice %arg4[%mul3A_4, %dma_start3A_20] : memref<2560x128xi32, #tpu.memory_space<hbm>> -> memref<80x128xi32, #tpu.memory_space<hbm>>
      tpu.enqueue_dma source(%dma_start3A_21 : memref<80x128xi32, #tpu.memory_space<hbm>>) target(%arg8 : memref<80x128xi32, #tpu.memory_space<vmem>>) target_semaphore(%run_scoped3A : memref<!tpu.dma_semaphore, #tpu.memory_space<semaphore_mem>>)
      %dma_wait3A = arith.constant 0 : i32
      %dma_wait3A_22 = tpu.memref_slice %arg4[%mul3A_4, %dma_wait3A] : memref<2560x128xi32, #tpu.memory_space<hbm>> -> memref<80x128xi32, #tpu.memory_space<hbm>>
      %dma_wait3A_23 = arith.constant 0 : i32
      %dma_wait3A_24 = tpu.memref_slice %arg4[%mul3A_4, %dma_wait3A_23] : memref<2560x128xi32, #tpu.memory_space<hbm>> -> memref<80x128xi32, #tpu.memory_space<hbm>>
      tpu.wait_dma2 semaphore(%run_scoped3A : memref<!tpu.dma_semaphore, #tpu.memory_space<semaphore_mem>>) src(%dma_wait3A_24 : memref<80x128xi32, #tpu.memory_space<hbm>>) dst(%arg8 : memref<80x128xi32, #tpu.memory_space<vmem>>)
      tpu.yield
    }) : () -> ()
    "tpu.region"() ({
      %run_scoped3A = tpu.sem_alloc : memref<!tpu.dma_semaphore, #tpu.memory_space<semaphore_mem>>
      tpu.enqueue_dma source(%arg5 : memref<128x64xf32, #tpu.memory_space<hbm>>) target(%arg10 : memref<128x64xf32, #tpu.memory_space<vmem>>) target_semaphore(%run_scoped3A : memref<!tpu.dma_semaphore, #tpu.memory_space<semaphore_mem>>)
      tpu.wait_dma2 semaphore(%run_scoped3A : memref<!tpu.dma_semaphore, #tpu.memory_space<semaphore_mem>>) src(%arg5 : memref<128x64xf32, #tpu.memory_space<hbm>>) dst(%arg10 : memref<128x64xf32, #tpu.memory_space<vmem>>)
      tpu.yield
    }) : () -> ()
    %mul3A_5 = arith.constant 640 : i32
    %mul3A_6 = arith.muli %arg1, %mul3A_5 : i32
    %scan3A = arith.constant 0 : i32
    %scan3A_7 = arith.constant 0 : i32
    %scan3A_8 = arith.constant 5 : i32
    %scan3A_9 = arith.addi %scan3A_7, %scan3A_8 : i32
    %scan3A_10 = arith.constant 1 : i32
    scf.for %scan3A_19 = %scan3A_7 to %scan3A_9 step %scan3A_10  : i32 {
      %mul3A_20 = arith.constant 128 : i32
      %mul3A_21 = arith.muli %scan3A_19, %mul3A_20 : i32
      %add3A_22 = arith.addi %mul3A_6, %mul3A_21 : i32
      "tpu.region"() ({
        %run_scoped3A = tpu.sem_alloc : memref<!tpu.dma_semaphore, #tpu.memory_space<semaphore_mem>>
        %dma_start3A = arith.constant 0 : i32
        %dma_start3A_23 = tpu.memref_slice %arg11[%add3A_22, %dma_start3A] : memref<10240x64xf32, #tpu.memory_space<vmem_shared>> -> memref<128x64xf32, #tpu.memory_space<vmem_shared>>
        %dma_start3A_24 = arith.constant 0 : i32
        %dma_start3A_25 = tpu.memref_slice %arg11[%add3A_22, %dma_start3A_24] : memref<10240x64xf32, #tpu.memory_space<vmem_shared>> -> memref<128x64xf32, #tpu.memory_space<vmem_shared>>
        tpu.enqueue_dma source(%arg10 : memref<128x64xf32, #tpu.memory_space<vmem>>) target(%dma_start3A_25 : memref<128x64xf32, #tpu.memory_space<vmem_shared>>) target_semaphore(%run_scoped3A : memref<!tpu.dma_semaphore, #tpu.memory_space<semaphore_mem>>)
        %dma_wait3A = arith.constant 0 : i32
        %dma_wait3A_26 = tpu.memref_slice %arg11[%add3A_22, %dma_wait3A] : memref<10240x64xf32, #tpu.memory_space<vmem_shared>> -> memref<128x64xf32, #tpu.memory_space<vmem_shared>>
        %dma_wait3A_27 = arith.constant 0 : i32
        %dma_wait3A_28 = tpu.memref_slice %arg11[%add3A_22, %dma_wait3A_27] : memref<10240x64xf32, #tpu.memory_space<vmem_shared>> -> memref<128x64xf32, #tpu.memory_space<vmem_shared>>
        tpu.wait_dma2 semaphore(%run_scoped3A : memref<!tpu.dma_semaphore, #tpu.memory_space<semaphore_mem>>) src(%arg10 : memref<128x64xf32, #tpu.memory_space<vmem>>) dst(%dma_wait3A_28 : memref<128x64xf32, #tpu.memory_space<vmem_shared>>)
        tpu.yield
      }) : () -> ()
    }
    %scan3A_11 = arith.constant 5 : i32
    %barrier3A = arith.constant 0 : index
    tpu.barrier barrier_id(%barrier3A)
    %scan3A_12 = arith.constant 0 : i32
    %scan3A_13 = arith.constant 0 : i32
    %scan3A_14 = arith.constant 80 : i32
    %scan3A_15 = arith.addi %scan3A_13, %scan3A_14 : i32
    %scan3A_16 = arith.constant 1 : i32
    scf.for %scan3A_19 = %scan3A_13 to %scan3A_15 step %scan3A_16  : i32 {
      %dma_start3A = arith.constant 0 : i32
      %dma_start3A_20 = tpu.memref_slice %arg7[%scan3A_19, %dma_start3A] : memref<80x128xi32, #tpu.memory_space<vmem>> -> memref<1x128xi32, #tpu.memory_space<vmem>>
      %dma_start3A_21 = tpu.memref_squeeze %dma_start3A_20 : memref<1x128xi32, #tpu.memory_space<vmem>> -> memref<128xi32, #tpu.memory_space<vmem>>
      %dma_start3A_22 = arith.constant 0 : i32
      %dma_start3A_23 = arith.constant 0 : i32
      %dma_start3A_24 = tpu.memref_slice %arg2[%dma_start3A_22, %dma_start3A_23] : memref<10240x64xf32, #tpu.memory_space<hbm>> -> memref<10240x64xf32, #tpu.memory_space<hbm>>
      tpu.enqueue_indirect_dma source(%dma_start3A_24 : memref<10240x64xf32, #tpu.memory_space<hbm>>) target(%arg9 : memref<128x64xf32, #tpu.memory_space<vmem>>) offsets(%dma_start3A_21 : memref<128xi32, #tpu.memory_space<vmem>>) semaphore(%arg12 : memref<!tpu.dma_semaphore, #tpu.memory_space<semaphore_mem>>)
      %dma_wait3A = arith.constant 0 : i32
      %dma_wait3A_25 = tpu.memref_slice %arg7[%scan3A_19, %dma_wait3A] : memref<80x128xi32, #tpu.memory_space<vmem>> -> memref<1x128xi32, #tpu.memory_space<vmem>>
      %dma_wait3A_26 = tpu.memref_squeeze %dma_wait3A_25 : memref<1x128xi32, #tpu.memory_space<vmem>> -> memref<128xi32, #tpu.memory_space<vmem>>
      %dma_wait3A_27 = arith.constant 0 : i32
      %dma_wait3A_28 = arith.constant 0 : i32
      %dma_wait3A_29 = tpu.memref_slice %arg2[%dma_wait3A_27, %dma_wait3A_28] : memref<10240x64xf32, #tpu.memory_space<hbm>> -> memref<10240x64xf32, #tpu.memory_space<hbm>>
      tpu.wait_indirect_dma semaphore(%arg12 : memref<!tpu.dma_semaphore, #tpu.memory_space<semaphore_mem>>) src(%dma_wait3A_29 : memref<10240x64xf32, #tpu.memory_space<hbm>>) dst(%arg9 : memref<128x64xf32, #tpu.memory_space<vmem>>)
      "tpu.region"() ({
        %run_scoped3A = tpu.sem_alloc : memref<!tpu.dma_semaphore, #tpu.memory_space<semaphore_mem>>
        %dma_start3A_30 = arith.constant 0 : i32
        %dma_start3A_31 = tpu.memref_slice %arg8[%scan3A_19, %dma_start3A_30] : memref<80x128xi32, #tpu.memory_space<vmem>> -> memref<1x128xi32, #tpu.memory_space<vmem>>
        %dma_start3A_32 = tpu.memref_squeeze %dma_start3A_31 : memref<1x128xi32, #tpu.memory_space<vmem>> -> memref<128xi32, #tpu.memory_space<vmem>>
        %dma_start3A_33 = arith.constant 0 : i32
        %dma_start3A_34 = arith.constant 0 : i32
        %dma_start3A_35 = tpu.memref_slice %arg11[%dma_start3A_33, %dma_start3A_34] : memref<10240x64xf32, #tpu.memory_space<vmem_shared>> -> memref<10240x64xf32, #tpu.memory_space<vmem_shared>>
        tpu.enqueue_indirect_dma source(%arg9 : memref<128x64xf32, #tpu.memory_space<vmem>>) target(%dma_start3A_35 : memref<10240x64xf32, #tpu.memory_space<vmem_shared>>) offsets(%dma_start3A_32 : memref<128xi32, #tpu.memory_space<vmem>>) semaphore(%run_scoped3A : memref<!tpu.dma_semaphore, #tpu.memory_space<semaphore_mem>>) {add = true}
        %dma_wait3A_36 = arith.constant 0 : i32
        %dma_wait3A_37 = tpu.memref_slice %arg8[%scan3A_19, %dma_wait3A_36] : memref<80x128xi32, #tpu.memory_space<vmem>> -> memref<1x128xi32, #tpu.memory_space<vmem>>
        %dma_wait3A_38 = tpu.memref_squeeze %dma_wait3A_37 : memref<1x128xi32, #tpu.memory_space<vmem>> -> memref<128xi32, #tpu.memory_space<vmem>>
        %dma_wait3A_39 = arith.constant 0 : i32
        %dma_wait3A_40 = arith.constant 0 : i32
        %dma_wait3A_41 = tpu.memref_slice %arg11[%dma_wait3A_39, %dma_wait3A_40] : memref<10240x64xf32, #tpu.memory_space<vmem_shared>> -> memref<10240x64xf32, #tpu.memory_space<vmem_shared>>
        tpu.wait_indirect_dma semaphore(%run_scoped3A : memref<!tpu.dma_semaphore, #tpu.memory_space<semaphore_mem>>) src(%arg9 : memref<128x64xf32, #tpu.memory_space<vmem>>) dst(%dma_wait3A_41 : memref<10240x64xf32, #tpu.memory_space<vmem_shared>>)
        tpu.yield
      }) : () -> ()
    }
    %scan3A_17 = arith.constant 80 : i32
    %barrier3A_18 = arith.constant 0 : index
    tpu.barrier barrier_id(%barrier3A_18)
    "tpu.region"() ({
      %run_scoped3A = tpu.sem_alloc : memref<!tpu.dma_semaphore, #tpu.memory_space<semaphore_mem>>
      %dma_start3A = arith.constant 0 : i32
      %dma_start3A_19 = tpu.memref_slice %arg6[%arg0, %mul3A_6, %dma_start3A] : memref<2x10240x64xf32, #tpu.memory_space<hbm>> -> memref<1x640x64xf32, #tpu.memory_space<hbm>>
      %dma_start3A_20 = tpu.memref_squeeze %dma_start3A_19 : memref<1x640x64xf32, #tpu.memory_space<hbm>> -> memref<640x64xf32, #tpu.memory_space<hbm>>
      %dma_start3A_21 = arith.constant 0 : i32
      %dma_start3A_22 = tpu.memref_slice %arg11[%mul3A_6, %dma_start3A_21] : memref<10240x64xf32, #tpu.memory_space<vmem_shared>> -> memref<640x64xf32, #tpu.memory_space<vmem_shared>>
      tpu.enqueue_dma source(%dma_start3A_22 : memref<640x64xf32, #tpu.memory_space<vmem_shared>>) target(%dma_start3A_20 : memref<640x64xf32, #tpu.memory_space<hbm>>) target_semaphore(%run_scoped3A : memref<!tpu.dma_semaphore, #tpu.memory_space<semaphore_mem>>)
      %dma_wait3A = arith.constant 0 : i32
      %dma_wait3A_23 = tpu.memref_slice %arg6[%arg0, %mul3A_6, %dma_wait3A] : memref<2x10240x64xf32, #tpu.memory_space<hbm>> -> memref<1x640x64xf32, #tpu.memory_space<hbm>>
      %dma_wait3A_24 = tpu.memref_squeeze %dma_wait3A_23 : memref<1x640x64xf32, #tpu.memory_space<hbm>> -> memref<640x64xf32, #tpu.memory_space<hbm>>
      %dma_wait3A_25 = arith.constant 0 : i32
      %dma_wait3A_26 = tpu.memref_slice %arg11[%mul3A_6, %dma_wait3A_25] : memref<10240x64xf32, #tpu.memory_space<vmem_shared>> -> memref<640x64xf32, #tpu.memory_space<vmem_shared>>
      tpu.wait_dma2 semaphore(%run_scoped3A : memref<!tpu.dma_semaphore, #tpu.memory_space<semaphore_mem>>) src(%dma_wait3A_26 : memref<640x64xf32, #tpu.memory_space<vmem_shared>>) dst(%dma_wait3A_24 : memref<640x64xf32, #tpu.memory_space<hbm>>)
      tpu.yield
    }) : () -> ()
    return
  }
}

#map = affine_map<(d0, d1) -> (0, 0)>
#map1 = affine_map<(d0, d1) -> (0, 0, 0)>
module attributes {stable_mosaic.version = 14 : i64} {
  func.func @_agg_body(%arg0: i32, %arg1: i32, %arg2: memref<10240x64xf32, #tpu.memory_space<hbm>>, %arg3: memref<2560x128xi32, #tpu.memory_space<hbm>>, %arg4: memref<2560x128xi32, #tpu.memory_space<hbm>>, %arg5: memref<128x64xf32, #tpu.memory_space<hbm>>, %arg6: memref<2x10240x64xf32, #tpu.memory_space<hbm>>, %arg7: memref<80x128xi32, #tpu.memory_space<vmem>>, %arg8: memref<80x128xi32, #tpu.memory_space<vmem>>, %arg9: memref<128x64xf32, #tpu.memory_space<vmem>>, %arg10: memref<128x64xf32, #tpu.memory_space<vmem>>, %arg11: memref<10240x64xf32, #tpu.memory_space<vmem_shared>>, %arg12: memref<!tpu.dma_semaphore, #tpu.memory_space<semaphore_mem>>) attributes {dimension_semantics = [#tpu.dimension_semantics<core_parallel>, #tpu.dimension_semantics<subcore_parallel>], iteration_bounds = array<i64: 2, 16>, scalar_prefetch = 0 : i64, scratch_operands = 6 : i64, tpu.core_type = #tpu.core_type<sc_vector_subcore>, window_params = [{transform_indices = #map}, {transform_indices = #map}, {transform_indices = #map}, {transform_indices = #map}, {transform_indices = #map1}]} {
    %mul3A = arith.constant 2 : i32
    %mul3A_0 = arith.muli %arg1, %mul3A : i32
    %add3A = arith.addi %mul3A_0, %arg0 : i32
    %mul3A_1 = arith.constant 80 : i32
    %mul3A_2 = arith.muli %add3A, %mul3A_1 : i32
    "tpu.region"() ({
      %run_scoped3A = tpu.sem_alloc : memref<!tpu.dma_semaphore, #tpu.memory_space<semaphore_mem>>
      %dma_start3A = arith.constant 0 : i32
      %dma_start3A_19 = tpu.memref_slice %arg3[%mul3A_2, %dma_start3A] : memref<2560x128xi32, #tpu.memory_space<hbm>> -> memref<80x128xi32, #tpu.memory_space<hbm>>
      %dma_start3A_20 = arith.constant 0 : i32
      %dma_start3A_21 = tpu.memref_slice %arg3[%mul3A_2, %dma_start3A_20] : memref<2560x128xi32, #tpu.memory_space<hbm>> -> memref<80x128xi32, #tpu.memory_space<hbm>>
      tpu.enqueue_dma source(%dma_start3A_21 : memref<80x128xi32, #tpu.memory_space<hbm>>) target(%arg7 : memref<80x128xi32, #tpu.memory_space<vmem>>) target_semaphore(%run_scoped3A : memref<!tpu.dma_semaphore, #tpu.memory_space<semaphore_mem>>)
      %dma_wait3A = arith.constant 0 : i32
      %dma_wait3A_22 = tpu.memref_slice %arg3[%mul3A_2, %dma_wait3A] : memref<2560x128xi32, #tpu.memory_space<hbm>> -> memref<80x128xi32, #tpu.memory_space<hbm>>
      %dma_wait3A_23 = arith.constant 0 : i32
      %dma_wait3A_24 = tpu.memref_slice %arg3[%mul3A_2, %dma_wait3A_23] : memref<2560x128xi32, #tpu.memory_space<hbm>> -> memref<80x128xi32, #tpu.memory_space<hbm>>
      tpu.wait_dma2 semaphore(%run_scoped3A : memref<!tpu.dma_semaphore, #tpu.memory_space<semaphore_mem>>) src(%dma_wait3A_24 : memref<80x128xi32, #tpu.memory_space<hbm>>) dst(%arg7 : memref<80x128xi32, #tpu.memory_space<vmem>>)
      tpu.yield
    }) : () -> ()
    %mul3A_3 = arith.constant 80 : i32
    %mul3A_4 = arith.muli %add3A, %mul3A_3 : i32
    "tpu.region"() ({
      %run_scoped3A = tpu.sem_alloc : memref<!tpu.dma_semaphore, #tpu.memory_space<semaphore_mem>>
      %dma_start3A = arith.constant 0 : i32
      %dma_start3A_19 = tpu.memref_slice %arg4[%mul3A_4, %dma_start3A] : memref<2560x128xi32, #tpu.memory_space<hbm>> -> memref<80x128xi32, #tpu.memory_space<hbm>>
      %dma_start3A_20 = arith.constant 0 : i32
      %dma_start3A_21 = tpu.memref_slice %arg4[%mul3A_4, %dma_start3A_20] : memref<2560x128xi32, #tpu.memory_space<hbm>> -> memref<80x128xi32, #tpu.memory_space<hbm>>
      tpu.enqueue_dma source(%dma_start3A_21 : memref<80x128xi32, #tpu.memory_space<hbm>>) target(%arg8 : memref<80x128xi32, #tpu.memory_space<vmem>>) target_semaphore(%run_scoped3A : memref<!tpu.dma_semaphore, #tpu.memory_space<semaphore_mem>>)
      %dma_wait3A = arith.constant 0 : i32
      %dma_wait3A_22 = tpu.memref_slice %arg4[%mul3A_4, %dma_wait3A] : memref<2560x128xi32, #tpu.memory_space<hbm>> -> memref<80x128xi32, #tpu.memory_space<hbm>>
      %dma_wait3A_23 = arith.constant 0 : i32
      %dma_wait3A_24 = tpu.memref_slice %arg4[%mul3A_4, %dma_wait3A_23] : memref<2560x128xi32, #tpu.memory_space<hbm>> -> memref<80x128xi32, #tpu.memory_space<hbm>>
      tpu.wait_dma2 semaphore(%run_scoped3A : memref<!tpu.dma_semaphore, #tpu.memory_space<semaphore_mem>>) src(%dma_wait3A_24 : memref<80x128xi32, #tpu.memory_space<hbm>>) dst(%arg8 : memref<80x128xi32, #tpu.memory_space<vmem>>)
      tpu.yield
    }) : () -> ()
    "tpu.region"() ({
      %run_scoped3A = tpu.sem_alloc : memref<!tpu.dma_semaphore, #tpu.memory_space<semaphore_mem>>
      tpu.enqueue_dma source(%arg5 : memref<128x64xf32, #tpu.memory_space<hbm>>) target(%arg10 : memref<128x64xf32, #tpu.memory_space<vmem>>) target_semaphore(%run_scoped3A : memref<!tpu.dma_semaphore, #tpu.memory_space<semaphore_mem>>)
      tpu.wait_dma2 semaphore(%run_scoped3A : memref<!tpu.dma_semaphore, #tpu.memory_space<semaphore_mem>>) src(%arg5 : memref<128x64xf32, #tpu.memory_space<hbm>>) dst(%arg10 : memref<128x64xf32, #tpu.memory_space<vmem>>)
      tpu.yield
    }) : () -> ()
    %mul3A_5 = arith.constant 640 : i32
    %mul3A_6 = arith.muli %arg1, %mul3A_5 : i32
    %scan3A = arith.constant 0 : i32
    %scan3A_7 = arith.constant 0 : i32
    %scan3A_8 = arith.constant 5 : i32
    %scan3A_9 = arith.addi %scan3A_7, %scan3A_8 : i32
    %scan3A_10 = arith.constant 1 : i32
    scf.for %scan3A_19 = %scan3A_7 to %scan3A_9 step %scan3A_10  : i32 {
      %mul3A_20 = arith.constant 128 : i32
      %mul3A_21 = arith.muli %scan3A_19, %mul3A_20 : i32
      %add3A_22 = arith.addi %mul3A_6, %mul3A_21 : i32
      "tpu.region"() ({
        %run_scoped3A = tpu.sem_alloc : memref<!tpu.dma_semaphore, #tpu.memory_space<semaphore_mem>>
        %dma_start3A = arith.constant 0 : i32
        %dma_start3A_23 = tpu.memref_slice %arg11[%add3A_22, %dma_start3A] : memref<10240x64xf32, #tpu.memory_space<vmem_shared>> -> memref<128x64xf32, #tpu.memory_space<vmem_shared>>
        %dma_start3A_24 = arith.constant 0 : i32
        %dma_start3A_25 = tpu.memref_slice %arg11[%add3A_22, %dma_start3A_24] : memref<10240x64xf32, #tpu.memory_space<vmem_shared>> -> memref<128x64xf32, #tpu.memory_space<vmem_shared>>
        tpu.enqueue_dma source(%arg10 : memref<128x64xf32, #tpu.memory_space<vmem>>) target(%dma_start3A_25 : memref<128x64xf32, #tpu.memory_space<vmem_shared>>) target_semaphore(%run_scoped3A : memref<!tpu.dma_semaphore, #tpu.memory_space<semaphore_mem>>)
        %dma_wait3A = arith.constant 0 : i32
        %dma_wait3A_26 = tpu.memref_slice %arg11[%add3A_22, %dma_wait3A] : memref<10240x64xf32, #tpu.memory_space<vmem_shared>> -> memref<128x64xf32, #tpu.memory_space<vmem_shared>>
        %dma_wait3A_27 = arith.constant 0 : i32
        %dma_wait3A_28 = tpu.memref_slice %arg11[%add3A_22, %dma_wait3A_27] : memref<10240x64xf32, #tpu.memory_space<vmem_shared>> -> memref<128x64xf32, #tpu.memory_space<vmem_shared>>
        tpu.wait_dma2 semaphore(%run_scoped3A : memref<!tpu.dma_semaphore, #tpu.memory_space<semaphore_mem>>) src(%arg10 : memref<128x64xf32, #tpu.memory_space<vmem>>) dst(%dma_wait3A_28 : memref<128x64xf32, #tpu.memory_space<vmem_shared>>)
        tpu.yield
      }) : () -> ()
    }
    %scan3A_11 = arith.constant 5 : i32
    %barrier3A = arith.constant 0 : index
    tpu.barrier barrier_id(%barrier3A)
    %scan3A_12 = arith.constant 0 : i32
    %scan3A_13 = arith.constant 0 : i32
    %scan3A_14 = arith.constant 80 : i32
    %scan3A_15 = arith.addi %scan3A_13, %scan3A_14 : i32
    %scan3A_16 = arith.constant 1 : i32
    scf.for %scan3A_19 = %scan3A_13 to %scan3A_15 step %scan3A_16  : i32 {
      %dma_start3A = arith.constant 0 : i32
      %dma_start3A_20 = tpu.memref_slice %arg7[%scan3A_19, %dma_start3A] : memref<80x128xi32, #tpu.memory_space<vmem>> -> memref<1x128xi32, #tpu.memory_space<vmem>>
      %dma_start3A_21 = tpu.memref_squeeze %dma_start3A_20 : memref<1x128xi32, #tpu.memory_space<vmem>> -> memref<128xi32, #tpu.memory_space<vmem>>
      %dma_start3A_22 = arith.constant 0 : i32
      %dma_start3A_23 = arith.constant 0 : i32
      %dma_start3A_24 = tpu.memref_slice %arg2[%dma_start3A_22, %dma_start3A_23] : memref<10240x64xf32, #tpu.memory_space<hbm>> -> memref<10240x64xf32, #tpu.memory_space<hbm>>
      tpu.enqueue_indirect_dma source(%dma_start3A_24 : memref<10240x64xf32, #tpu.memory_space<hbm>>) target(%arg9 : memref<128x64xf32, #tpu.memory_space<vmem>>) offsets(%dma_start3A_21 : memref<128xi32, #tpu.memory_space<vmem>>) semaphore(%arg12 : memref<!tpu.dma_semaphore, #tpu.memory_space<semaphore_mem>>)
      %dma_wait3A = arith.constant 0 : i32
      %dma_wait3A_25 = tpu.memref_slice %arg7[%scan3A_19, %dma_wait3A] : memref<80x128xi32, #tpu.memory_space<vmem>> -> memref<1x128xi32, #tpu.memory_space<vmem>>
      %dma_wait3A_26 = tpu.memref_squeeze %dma_wait3A_25 : memref<1x128xi32, #tpu.memory_space<vmem>> -> memref<128xi32, #tpu.memory_space<vmem>>
      %dma_wait3A_27 = arith.constant 0 : i32
      %dma_wait3A_28 = arith.constant 0 : i32
      %dma_wait3A_29 = tpu.memref_slice %arg2[%dma_wait3A_27, %dma_wait3A_28] : memref<10240x64xf32, #tpu.memory_space<hbm>> -> memref<10240x64xf32, #tpu.memory_space<hbm>>
      tpu.wait_indirect_dma semaphore(%arg12 : memref<!tpu.dma_semaphore, #tpu.memory_space<semaphore_mem>>) src(%dma_wait3A_29 : memref<10240x64xf32, #tpu.memory_space<hbm>>) dst(%arg9 : memref<128x64xf32, #tpu.memory_space<vmem>>)
      "tpu.region"() ({
        %run_scoped3A = tpu.sem_alloc : memref<!tpu.dma_semaphore, #tpu.memory_space<semaphore_mem>>
        %dma_start3A_30 = arith.constant 0 : i32
        %dma_start3A_31 = tpu.memref_slice %arg8[%scan3A_19, %dma_start3A_30] : memref<80x128xi32, #tpu.memory_space<vmem>> -> memref<1x128xi32, #tpu.memory_space<vmem>>
        %dma_start3A_32 = tpu.memref_squeeze %dma_start3A_31 : memref<1x128xi32, #tpu.memory_space<vmem>> -> memref<128xi32, #tpu.memory_space<vmem>>
        %dma_start3A_33 = arith.constant 0 : i32
        %dma_start3A_34 = arith.constant 0 : i32
        %dma_start3A_35 = tpu.memref_slice %arg11[%dma_start3A_33, %dma_start3A_34] : memref<10240x64xf32, #tpu.memory_space<vmem_shared>> -> memref<10240x64xf32, #tpu.memory_space<vmem_shared>>
        tpu.enqueue_indirect_dma source(%arg9 : memref<128x64xf32, #tpu.memory_space<vmem>>) target(%dma_start3A_35 : memref<10240x64xf32, #tpu.memory_space<vmem_shared>>) offsets(%dma_start3A_32 : memref<128xi32, #tpu.memory_space<vmem>>) semaphore(%run_scoped3A : memref<!tpu.dma_semaphore, #tpu.memory_space<semaphore_mem>>) {add = true}
        %dma_wait3A_36 = arith.constant 0 : i32
        %dma_wait3A_37 = tpu.memref_slice %arg8[%scan3A_19, %dma_wait3A_36] : memref<80x128xi32, #tpu.memory_space<vmem>> -> memref<1x128xi32, #tpu.memory_space<vmem>>
        %dma_wait3A_38 = tpu.memref_squeeze %dma_wait3A_37 : memref<1x128xi32, #tpu.memory_space<vmem>> -> memref<128xi32, #tpu.memory_space<vmem>>
        %dma_wait3A_39 = arith.constant 0 : i32
        %dma_wait3A_40 = arith.constant 0 : i32
        %dma_wait3A_41 = tpu.memref_slice %arg11[%dma_wait3A_39, %dma_wait3A_40] : memref<10240x64xf32, #tpu.memory_space<vmem_shared>> -> memref<10240x64xf32, #tpu.memory_space<vmem_shared>>
        tpu.wait_indirect_dma semaphore(%run_scoped3A : memref<!tpu.dma_semaphore, #tpu.memory_space<semaphore_mem>>) src(%arg9 : memref<128x64xf32, #tpu.memory_space<vmem>>) dst(%dma_wait3A_41 : memref<10240x64xf32, #tpu.memory_space<vmem_shared>>)
        tpu.yield
      }) : () -> ()
    }
    %scan3A_17 = arith.constant 80 : i32
    %barrier3A_18 = arith.constant 0 : index
    tpu.barrier barrier_id(%barrier3A_18)
    "tpu.region"() ({
      %run_scoped3A = tpu.sem_alloc : memref<!tpu.dma_semaphore, #tpu.memory_space<semaphore_mem>>
      %dma_start3A = arith.constant 0 : i32
      %dma_start3A_19 = tpu.memref_slice %arg6[%arg0, %mul3A_6, %dma_start3A] : memref<2x10240x64xf32, #tpu.memory_space<hbm>> -> memref<1x640x64xf32, #tpu.memory_space<hbm>>
      %dma_start3A_20 = tpu.memref_squeeze %dma_start3A_19 : memref<1x640x64xf32, #tpu.memory_space<hbm>> -> memref<640x64xf32, #tpu.memory_space<hbm>>
      %dma_start3A_21 = arith.constant 0 : i32
      %dma_start3A_22 = tpu.memref_slice %arg11[%mul3A_6, %dma_start3A_21] : memref<10240x64xf32, #tpu.memory_space<vmem_shared>> -> memref<640x64xf32, #tpu.memory_space<vmem_shared>>
      tpu.enqueue_dma source(%dma_start3A_22 : memref<640x64xf32, #tpu.memory_space<vmem_shared>>) target(%dma_start3A_20 : memref<640x64xf32, #tpu.memory_space<hbm>>) target_semaphore(%run_scoped3A : memref<!tpu.dma_semaphore, #tpu.memory_space<semaphore_mem>>)
      %dma_wait3A = arith.constant 0 : i32
      %dma_wait3A_23 = tpu.memref_slice %arg6[%arg0, %mul3A_6, %dma_wait3A] : memref<2x10240x64xf32, #tpu.memory_space<hbm>> -> memref<1x640x64xf32, #tpu.memory_space<hbm>>
      %dma_wait3A_24 = tpu.memref_squeeze %dma_wait3A_23 : memref<1x640x64xf32, #tpu.memory_space<hbm>> -> memref<640x64xf32, #tpu.memory_space<hbm>>
      %dma_wait3A_25 = arith.constant 0 : i32
      %dma_wait3A_26 = tpu.memref_slice %arg11[%mul3A_6, %dma_wait3A_25] : memref<10240x64xf32, #tpu.memory_space<vmem_shared>> -> memref<640x64xf32, #tpu.memory_space<vmem_shared>>
      tpu.wait_dma2 semaphore(%run_scoped3A : memref<!tpu.dma_semaphore, #tpu.memory_space<semaphore_mem>>) src(%dma_wait3A_26 : memref<640x64xf32, #tpu.memory_space<vmem_shared>>) dst(%dma_wait3A_24 : memref<640x64xf32, #tpu.memory_space<hbm>>)
      tpu.yield
    }) : () -> ()
    return
  }
}

#map = affine_map<(d0, d1) -> (0, 0)>
#map1 = affine_map<(d0, d1) -> (0, 0, 0)>
module attributes {stable_mosaic.version = 14 : i64} {
  func.func @_agg_body(%arg0: i32, %arg1: i32, %arg2: memref<10240x64xf32, #tpu.memory_space<hbm>>, %arg3: memref<2560x128xi32, #tpu.memory_space<hbm>>, %arg4: memref<2560x128xi32, #tpu.memory_space<hbm>>, %arg5: memref<128x64xf32, #tpu.memory_space<hbm>>, %arg6: memref<2x10240x64xf32, #tpu.memory_space<hbm>>, %arg7: memref<80x128xi32, #tpu.memory_space<vmem>>, %arg8: memref<80x128xi32, #tpu.memory_space<vmem>>, %arg9: memref<128x64xf32, #tpu.memory_space<vmem>>, %arg10: memref<128x64xf32, #tpu.memory_space<vmem>>, %arg11: memref<10240x64xf32, #tpu.memory_space<vmem_shared>>, %arg12: memref<!tpu.dma_semaphore, #tpu.memory_space<semaphore_mem>>) attributes {dimension_semantics = [#tpu.dimension_semantics<core_parallel>, #tpu.dimension_semantics<subcore_parallel>], iteration_bounds = array<i64: 2, 16>, scalar_prefetch = 0 : i64, scratch_operands = 6 : i64, tpu.core_type = #tpu.core_type<sc_vector_subcore>, window_params = [{transform_indices = #map}, {transform_indices = #map}, {transform_indices = #map}, {transform_indices = #map}, {transform_indices = #map1}]} {
    %mul3A = arith.constant 2 : i32
    %mul3A_0 = arith.muli %arg1, %mul3A : i32
    %add3A = arith.addi %mul3A_0, %arg0 : i32
    %mul3A_1 = arith.constant 80 : i32
    %mul3A_2 = arith.muli %add3A, %mul3A_1 : i32
    "tpu.region"() ({
      %run_scoped3A = tpu.sem_alloc : memref<!tpu.dma_semaphore, #tpu.memory_space<semaphore_mem>>
      %dma_start3A = arith.constant 0 : i32
      %dma_start3A_19 = tpu.memref_slice %arg3[%mul3A_2, %dma_start3A] : memref<2560x128xi32, #tpu.memory_space<hbm>> -> memref<80x128xi32, #tpu.memory_space<hbm>>
      %dma_start3A_20 = arith.constant 0 : i32
      %dma_start3A_21 = tpu.memref_slice %arg3[%mul3A_2, %dma_start3A_20] : memref<2560x128xi32, #tpu.memory_space<hbm>> -> memref<80x128xi32, #tpu.memory_space<hbm>>
      tpu.enqueue_dma source(%dma_start3A_21 : memref<80x128xi32, #tpu.memory_space<hbm>>) target(%arg7 : memref<80x128xi32, #tpu.memory_space<vmem>>) target_semaphore(%run_scoped3A : memref<!tpu.dma_semaphore, #tpu.memory_space<semaphore_mem>>)
      %dma_wait3A = arith.constant 0 : i32
      %dma_wait3A_22 = tpu.memref_slice %arg3[%mul3A_2, %dma_wait3A] : memref<2560x128xi32, #tpu.memory_space<hbm>> -> memref<80x128xi32, #tpu.memory_space<hbm>>
      %dma_wait3A_23 = arith.constant 0 : i32
      %dma_wait3A_24 = tpu.memref_slice %arg3[%mul3A_2, %dma_wait3A_23] : memref<2560x128xi32, #tpu.memory_space<hbm>> -> memref<80x128xi32, #tpu.memory_space<hbm>>
      tpu.wait_dma2 semaphore(%run_scoped3A : memref<!tpu.dma_semaphore, #tpu.memory_space<semaphore_mem>>) src(%dma_wait3A_24 : memref<80x128xi32, #tpu.memory_space<hbm>>) dst(%arg7 : memref<80x128xi32, #tpu.memory_space<vmem>>)
      tpu.yield
    }) : () -> ()
    %mul3A_3 = arith.constant 80 : i32
    %mul3A_4 = arith.muli %add3A, %mul3A_3 : i32
    "tpu.region"() ({
      %run_scoped3A = tpu.sem_alloc : memref<!tpu.dma_semaphore, #tpu.memory_space<semaphore_mem>>
      %dma_start3A = arith.constant 0 : i32
      %dma_start3A_19 = tpu.memref_slice %arg4[%mul3A_4, %dma_start3A] : memref<2560x128xi32, #tpu.memory_space<hbm>> -> memref<80x128xi32, #tpu.memory_space<hbm>>
      %dma_start3A_20 = arith.constant 0 : i32
      %dma_start3A_21 = tpu.memref_slice %arg4[%mul3A_4, %dma_start3A_20] : memref<2560x128xi32, #tpu.memory_space<hbm>> -> memref<80x128xi32, #tpu.memory_space<hbm>>
      tpu.enqueue_dma source(%dma_start3A_21 : memref<80x128xi32, #tpu.memory_space<hbm>>) target(%arg8 : memref<80x128xi32, #tpu.memory_space<vmem>>) target_semaphore(%run_scoped3A : memref<!tpu.dma_semaphore, #tpu.memory_space<semaphore_mem>>)
      %dma_wait3A = arith.constant 0 : i32
      %dma_wait3A_22 = tpu.memref_slice %arg4[%mul3A_4, %dma_wait3A] : memref<2560x128xi32, #tpu.memory_space<hbm>> -> memref<80x128xi32, #tpu.memory_space<hbm>>
      %dma_wait3A_23 = arith.constant 0 : i32
      %dma_wait3A_24 = tpu.memref_slice %arg4[%mul3A_4, %dma_wait3A_23] : memref<2560x128xi32, #tpu.memory_space<hbm>> -> memref<80x128xi32, #tpu.memory_space<hbm>>
      tpu.wait_dma2 semaphore(%run_scoped3A : memref<!tpu.dma_semaphore, #tpu.memory_space<semaphore_mem>>) src(%dma_wait3A_24 : memref<80x128xi32, #tpu.memory_space<hbm>>) dst(%arg8 : memref<80x128xi32, #tpu.memory_space<vmem>>)
      tpu.yield
    }) : () -> ()
    "tpu.region"() ({
      %run_scoped3A = tpu.sem_alloc : memref<!tpu.dma_semaphore, #tpu.memory_space<semaphore_mem>>
      tpu.enqueue_dma source(%arg5 : memref<128x64xf32, #tpu.memory_space<hbm>>) target(%arg10 : memref<128x64xf32, #tpu.memory_space<vmem>>) target_semaphore(%run_scoped3A : memref<!tpu.dma_semaphore, #tpu.memory_space<semaphore_mem>>)
      tpu.wait_dma2 semaphore(%run_scoped3A : memref<!tpu.dma_semaphore, #tpu.memory_space<semaphore_mem>>) src(%arg5 : memref<128x64xf32, #tpu.memory_space<hbm>>) dst(%arg10 : memref<128x64xf32, #tpu.memory_space<vmem>>)
      tpu.yield
    }) : () -> ()
    %mul3A_5 = arith.constant 640 : i32
    %mul3A_6 = arith.muli %arg1, %mul3A_5 : i32
    %scan3A = arith.constant 0 : i32
    %scan3A_7 = arith.constant 0 : i32
    %scan3A_8 = arith.constant 5 : i32
    %scan3A_9 = arith.addi %scan3A_7, %scan3A_8 : i32
    %scan3A_10 = arith.constant 1 : i32
    scf.for %scan3A_19 = %scan3A_7 to %scan3A_9 step %scan3A_10  : i32 {
      %mul3A_20 = arith.constant 128 : i32
      %mul3A_21 = arith.muli %scan3A_19, %mul3A_20 : i32
      %add3A_22 = arith.addi %mul3A_6, %mul3A_21 : i32
      "tpu.region"() ({
        %run_scoped3A = tpu.sem_alloc : memref<!tpu.dma_semaphore, #tpu.memory_space<semaphore_mem>>
        %dma_start3A = arith.constant 0 : i32
        %dma_start3A_23 = tpu.memref_slice %arg11[%add3A_22, %dma_start3A] : memref<10240x64xf32, #tpu.memory_space<vmem_shared>> -> memref<128x64xf32, #tpu.memory_space<vmem_shared>>
        %dma_start3A_24 = arith.constant 0 : i32
        %dma_start3A_25 = tpu.memref_slice %arg11[%add3A_22, %dma_start3A_24] : memref<10240x64xf32, #tpu.memory_space<vmem_shared>> -> memref<128x64xf32, #tpu.memory_space<vmem_shared>>
        tpu.enqueue_dma source(%arg10 : memref<128x64xf32, #tpu.memory_space<vmem>>) target(%dma_start3A_25 : memref<128x64xf32, #tpu.memory_space<vmem_shared>>) target_semaphore(%run_scoped3A : memref<!tpu.dma_semaphore, #tpu.memory_space<semaphore_mem>>)
        %dma_wait3A = arith.constant 0 : i32
        %dma_wait3A_26 = tpu.memref_slice %arg11[%add3A_22, %dma_wait3A] : memref<10240x64xf32, #tpu.memory_space<vmem_shared>> -> memref<128x64xf32, #tpu.memory_space<vmem_shared>>
        %dma_wait3A_27 = arith.constant 0 : i32
        %dma_wait3A_28 = tpu.memref_slice %arg11[%add3A_22, %dma_wait3A_27] : memref<10240x64xf32, #tpu.memory_space<vmem_shared>> -> memref<128x64xf32, #tpu.memory_space<vmem_shared>>
        tpu.wait_dma2 semaphore(%run_scoped3A : memref<!tpu.dma_semaphore, #tpu.memory_space<semaphore_mem>>) src(%arg10 : memref<128x64xf32, #tpu.memory_space<vmem>>) dst(%dma_wait3A_28 : memref<128x64xf32, #tpu.memory_space<vmem_shared>>)
        tpu.yield
      }) : () -> ()
    }
    %scan3A_11 = arith.constant 5 : i32
    %barrier3A = arith.constant 0 : index
    tpu.barrier barrier_id(%barrier3A)
    %scan3A_12 = arith.constant 0 : i32
    %scan3A_13 = arith.constant 0 : i32
    %scan3A_14 = arith.constant 80 : i32
    %scan3A_15 = arith.addi %scan3A_13, %scan3A_14 : i32
    %scan3A_16 = arith.constant 1 : i32
    scf.for %scan3A_19 = %scan3A_13 to %scan3A_15 step %scan3A_16  : i32 {
      %dma_start3A = arith.constant 0 : i32
      %dma_start3A_20 = tpu.memref_slice %arg7[%scan3A_19, %dma_start3A] : memref<80x128xi32, #tpu.memory_space<vmem>> -> memref<1x128xi32, #tpu.memory_space<vmem>>
      %dma_start3A_21 = tpu.memref_squeeze %dma_start3A_20 : memref<1x128xi32, #tpu.memory_space<vmem>> -> memref<128xi32, #tpu.memory_space<vmem>>
      %dma_start3A_22 = arith.constant 0 : i32
      %dma_start3A_23 = arith.constant 0 : i32
      %dma_start3A_24 = tpu.memref_slice %arg2[%dma_start3A_22, %dma_start3A_23] : memref<10240x64xf32, #tpu.memory_space<hbm>> -> memref<10240x64xf32, #tpu.memory_space<hbm>>
      tpu.enqueue_indirect_dma source(%dma_start3A_24 : memref<10240x64xf32, #tpu.memory_space<hbm>>) target(%arg9 : memref<128x64xf32, #tpu.memory_space<vmem>>) offsets(%dma_start3A_21 : memref<128xi32, #tpu.memory_space<vmem>>) semaphore(%arg12 : memref<!tpu.dma_semaphore, #tpu.memory_space<semaphore_mem>>)
      %dma_wait3A = arith.constant 0 : i32
      %dma_wait3A_25 = tpu.memref_slice %arg7[%scan3A_19, %dma_wait3A] : memref<80x128xi32, #tpu.memory_space<vmem>> -> memref<1x128xi32, #tpu.memory_space<vmem>>
      %dma_wait3A_26 = tpu.memref_squeeze %dma_wait3A_25 : memref<1x128xi32, #tpu.memory_space<vmem>> -> memref<128xi32, #tpu.memory_space<vmem>>
      %dma_wait3A_27 = arith.constant 0 : i32
      %dma_wait3A_28 = arith.constant 0 : i32
      %dma_wait3A_29 = tpu.memref_slice %arg2[%dma_wait3A_27, %dma_wait3A_28] : memref<10240x64xf32, #tpu.memory_space<hbm>> -> memref<10240x64xf32, #tpu.memory_space<hbm>>
      tpu.wait_indirect_dma semaphore(%arg12 : memref<!tpu.dma_semaphore, #tpu.memory_space<semaphore_mem>>) src(%dma_wait3A_29 : memref<10240x64xf32, #tpu.memory_space<hbm>>) dst(%arg9 : memref<128x64xf32, #tpu.memory_space<vmem>>)
      "tpu.region"() ({
        %run_scoped3A = tpu.sem_alloc : memref<!tpu.dma_semaphore, #tpu.memory_space<semaphore_mem>>
        %dma_start3A_30 = arith.constant 0 : i32
        %dma_start3A_31 = tpu.memref_slice %arg8[%scan3A_19, %dma_start3A_30] : memref<80x128xi32, #tpu.memory_space<vmem>> -> memref<1x128xi32, #tpu.memory_space<vmem>>
        %dma_start3A_32 = tpu.memref_squeeze %dma_start3A_31 : memref<1x128xi32, #tpu.memory_space<vmem>> -> memref<128xi32, #tpu.memory_space<vmem>>
        %dma_start3A_33 = arith.constant 0 : i32
        %dma_start3A_34 = arith.constant 0 : i32
        %dma_start3A_35 = tpu.memref_slice %arg11[%dma_start3A_33, %dma_start3A_34] : memref<10240x64xf32, #tpu.memory_space<vmem_shared>> -> memref<10240x64xf32, #tpu.memory_space<vmem_shared>>
        tpu.enqueue_indirect_dma source(%arg9 : memref<128x64xf32, #tpu.memory_space<vmem>>) target(%dma_start3A_35 : memref<10240x64xf32, #tpu.memory_space<vmem_shared>>) offsets(%dma_start3A_32 : memref<128xi32, #tpu.memory_space<vmem>>) semaphore(%run_scoped3A : memref<!tpu.dma_semaphore, #tpu.memory_space<semaphore_mem>>) {add = true}
        %dma_wait3A_36 = arith.constant 0 : i32
        %dma_wait3A_37 = tpu.memref_slice %arg8[%scan3A_19, %dma_wait3A_36] : memref<80x128xi32, #tpu.memory_space<vmem>> -> memref<1x128xi32, #tpu.memory_space<vmem>>
        %dma_wait3A_38 = tpu.memref_squeeze %dma_wait3A_37 : memref<1x128xi32, #tpu.memory_space<vmem>> -> memref<128xi32, #tpu.memory_space<vmem>>
        %dma_wait3A_39 = arith.constant 0 : i32
        %dma_wait3A_40 = arith.constant 0 : i32
        %dma_wait3A_41 = tpu.memref_slice %arg11[%dma_wait3A_39, %dma_wait3A_40] : memref<10240x64xf32, #tpu.memory_space<vmem_shared>> -> memref<10240x64xf32, #tpu.memory_space<vmem_shared>>
        tpu.wait_indirect_dma semaphore(%run_scoped3A : memref<!tpu.dma_semaphore, #tpu.memory_space<semaphore_mem>>) src(%arg9 : memref<128x64xf32, #tpu.memory_space<vmem>>) dst(%dma_wait3A_41 : memref<10240x64xf32, #tpu.memory_space<vmem_shared>>)
        tpu.yield
      }) : () -> ()
    }
    %scan3A_17 = arith.constant 80 : i32
    %barrier3A_18 = arith.constant 0 : index
    tpu.barrier barrier_id(%barrier3A_18)
    "tpu.region"() ({
      %run_scoped3A = tpu.sem_alloc : memref<!tpu.dma_semaphore, #tpu.memory_space<semaphore_mem>>
      %dma_start3A = arith.constant 0 : i32
      %dma_start3A_19 = tpu.memref_slice %arg6[%arg0, %mul3A_6, %dma_start3A] : memref<2x10240x64xf32, #tpu.memory_space<hbm>> -> memref<1x640x64xf32, #tpu.memory_space<hbm>>
      %dma_start3A_20 = tpu.memref_squeeze %dma_start3A_19 : memref<1x640x64xf32, #tpu.memory_space<hbm>> -> memref<640x64xf32, #tpu.memory_space<hbm>>
      %dma_start3A_21 = arith.constant 0 : i32
      %dma_start3A_22 = tpu.memref_slice %arg11[%mul3A_6, %dma_start3A_21] : memref<10240x64xf32, #tpu.memory_space<vmem_shared>> -> memref<640x64xf32, #tpu.memory_space<vmem_shared>>
      tpu.enqueue_dma source(%dma_start3A_22 : memref<640x64xf32, #tpu.memory_space<vmem_shared>>) target(%dma_start3A_20 : memref<640x64xf32, #tpu.memory_space<hbm>>) target_semaphore(%run_scoped3A : memref<!tpu.dma_semaphore, #tpu.memory_space<semaphore_mem>>)
      %dma_wait3A = arith.constant 0 : i32
      %dma_wait3A_23 = tpu.memref_slice %arg6[%arg0, %mul3A_6, %dma_wait3A] : memref<2x10240x64xf32, #tpu.memory_space<hbm>> -> memref<1x640x64xf32, #tpu.memory_space<hbm>>
      %dma_wait3A_24 = tpu.memref_squeeze %dma_wait3A_23 : memref<1x640x64xf32, #tpu.memory_space<hbm>> -> memref<640x64xf32, #tpu.memory_space<hbm>>
      %dma_wait3A_25 = arith.constant 0 : i32
      %dma_wait3A_26 = tpu.memref_slice %arg11[%mul3A_6, %dma_wait3A_25] : memref<10240x64xf32, #tpu.memory_space<vmem_shared>> -> memref<640x64xf32, #tpu.memory_space<vmem_shared>>
      tpu.wait_dma2 semaphore(%run_scoped3A : memref<!tpu.dma_semaphore, #tpu.memory_space<semaphore_mem>>) src(%dma_wait3A_26 : memref<640x64xf32, #tpu.memory_space<vmem_shared>>) dst(%dma_wait3A_24 : memref<640x64xf32, #tpu.memory_space<hbm>>)
      tpu.yield
    }) : () -> ()
    return
  }
}

module attributes {stable_mosaic.version = 14 : i64} {
  func.func @_tc_a_body(%arg0: memref<10240x128xf32, #tpu.memory_space<vmem>>, %arg1: memref<128x128xf32, #tpu.memory_space<vmem>>, %arg2: memref<2x16x2x10240xf32, #tpu.memory_space<vmem>>, %arg3: memref<10240x64xf32, #tpu.memory_space<vmem>>, %arg4: memref<10240x64xf32, #tpu.memory_space<vmem>>, %arg5: memref<2x10240xf32, #tpu.memory_space<vmem>>) attributes {dimension_semantics = [], scalar_prefetch = 0 : i64, scratch_operands = 0 : i64, tpu.core_type = #tpu.core_type<tc>} {
    %get3A = arith.constant 0 : index
    %get3A_0 = arith.constant 0 : index
    %get3A_1 = arith.constant 0 : index
    %get3A_2 = arith.constant 0 : index
    %get3A_3 = vector.load %arg2[%get3A, %get3A_0, %get3A_1, %get3A_2] : memref<2x16x2x10240xf32, #tpu.memory_space<vmem>>, vector<2x16x2x10240xf32>
    %reduce_sum3A = arith.constant dense<0.000000e+00> : vector<2x10240xf32>
    %reduce_sum3A_4 = vector.multi_reduction <add>, %get3A_3, %reduce_sum3A [0, 1] : vector<2x16x2x10240xf32> to vector<2x10240xf32>
    %max3A = arith.constant 1.000000e+00 : f32
    %max3A_5 = vector.broadcast %max3A : f32 to vector<2x10240xf32>
    %max3A_6 = arith.maximumf %reduce_sum3A_4, %max3A_5 : vector<2x10240xf32>
    %rsqrt3A = math.rsqrt %max3A_6 : vector<2x10240xf32>
    %swap3A = arith.constant 0 : index
    %swap3A_7 = arith.constant 0 : index
    %swap3A_8 = vector.load %arg5[%swap3A, %swap3A_7] : memref<2x10240xf32, #tpu.memory_space<vmem>>, vector<2x10240xf32>
    tpu.vector_store %arg5[%swap3A, %swap3A_7], %rsqrt3A {strides = array<i32>} : memref<2x10240xf32, #tpu.memory_space<vmem>>, vector<2x10240xf32>,
    %get3A_9 = arith.constant 0 : index
    %get3A_10 = arith.constant 0 : index
    %get3A_11 = vector.load %arg0[%get3A_9, %get3A_10] : memref<10240x128xf32, #tpu.memory_space<vmem>>, vector<10240x128xf32>
    %slice3A = vector.extract_strided_slice %rsqrt3A {offsets = [0, 0], sizes = [1, 10240], strides = [1, 1]} : vector<2x10240xf32> to vector<1x10240xf32>
    %squeeze3A = vector.shape_cast %slice3A : vector<1x10240xf32> to vector<10240xf32>
    %broadcast_in_dim3A = vector.shape_cast %squeeze3A : vector<10240xf32> to vector<10240x1xf32>
    %mul3A = vector.broadcast %broadcast_in_dim3A : vector<10240x1xf32> to vector<10240x128xf32>
    %mul3A_12 = arith.mulf %get3A_11, %mul3A : vector<10240x128xf32>
    %get3A_13 = arith.constant 0 : index
    %get3A_14 = arith.constant 0 : index
    %get3A_15 = vector.load %arg1[%get3A_13, %get3A_14] : memref<128x128xf32, #tpu.memory_space<vmem>>, vector<128x128xf32>
    %dot_general3A = arith.constant dense<0.000000e+00> : vector<10240x128xf32>
    %dot_general3A_16 = tpu.matmul %mul3A_12, %get3A_15, %dot_general3A {dimension_numbers = #tpu.dot_dimension_numbers<[1], [0], [0], [1], [0, 0, 1, 1], [], []>, transpose_lhs_hint = false} : vector<10240x128xf32>, vector<128x128xf32>, vector<10240x128xf32> -> vector<10240x128xf32>
    %slice3A_17 = vector.extract_strided_slice %dot_general3A_16 {offsets = [0, 0], sizes = [10240, 64], strides = [1, 1]} : vector<10240x128xf32> to vector<10240x64xf32>
    %swap3A_18 = arith.constant 0 : index
    %swap3A_19 = arith.constant 0 : index
    %swap3A_20 = vector.load %arg3[%swap3A_18, %swap3A_19] : memref<10240x64xf32, #tpu.memory_space<vmem>>, vector<10240x64xf32>
    tpu.vector_store %arg3[%swap3A_18, %swap3A_19], %slice3A_17 {strides = array<i32>} : memref<10240x64xf32, #tpu.memory_space<vmem>>, vector<10240x64xf32>,
    %slice3A_21 = vector.extract_strided_slice %dot_general3A_16 {offsets = [0, 64], sizes = [10240, 64], strides = [1, 1]} : vector<10240x128xf32> to vector<10240x64xf32>
    %swap3A_22 = arith.constant 0 : index
    %swap3A_23 = arith.constant 0 : index
    %swap3A_24 = vector.load %arg4[%swap3A_22, %swap3A_23] : memref<10240x64xf32, #tpu.memory_space<vmem>>, vector<10240x64xf32>
    tpu.vector_store %arg4[%swap3A_22, %swap3A_23], %slice3A_21 {strides = array<i32>} : memref<10240x64xf32, #tpu.memory_space<vmem>>, vector<10240x64xf32>,
    return
  }
}

module attributes {stable_mosaic.version = 14 : i64} {
  func.func @_tc_b_body(%arg0: memref<2x10240x64xf32, #tpu.memory_space<vmem>>, %arg1: memref<2x10240x64xf32, #tpu.memory_space<vmem>>, %arg2: memref<2x10240xf32, #tpu.memory_space<vmem>>, %arg3: memref<1x128xf32, #tpu.memory_space<vmem>>, %arg4: memref<128x64xf32, #tpu.memory_space<vmem>>, %arg5: memref<10240x64xf32, #tpu.memory_space<vmem>>) attributes {dimension_semantics = [], scalar_prefetch = 0 : i64, scratch_operands = 0 : i64, tpu.core_type = #tpu.core_type<tc>} {
    %get3A = arith.constant 0 : index
    %get3A_0 = arith.constant 0 : index
    %get3A_1 = arith.constant 0 : index
    %get3A_2 = vector.load %arg0[%get3A, %get3A_0, %get3A_1] : memref<2x10240x64xf32, #tpu.memory_space<vmem>>, vector<1x10240x64xf32>
    %get3A_3 = vector.shape_cast %get3A_2 : vector<1x10240x64xf32> to vector<10240x64xf32>
    %get3A_4 = arith.constant 1 : index
    %get3A_5 = arith.constant 0 : index
    %get3A_6 = arith.constant 0 : index
    %get3A_7 = vector.load %arg0[%get3A_4, %get3A_5, %get3A_6] : memref<2x10240x64xf32, #tpu.memory_space<vmem>>, vector<1x10240x64xf32>
    %get3A_8 = vector.shape_cast %get3A_7 : vector<1x10240x64xf32> to vector<10240x64xf32>
    %add3A = arith.addf %get3A_3, %get3A_8 : vector<10240x64xf32>
    %get3A_9 = arith.constant 0 : index
    %get3A_10 = arith.constant 0 : index
    %get3A_11 = arith.constant 0 : index
    %get3A_12 = vector.load %arg1[%get3A_9, %get3A_10, %get3A_11] : memref<2x10240x64xf32, #tpu.memory_space<vmem>>, vector<1x10240x64xf32>
    %get3A_13 = vector.shape_cast %get3A_12 : vector<1x10240x64xf32> to vector<10240x64xf32>
    %get3A_14 = arith.constant 1 : index
    %get3A_15 = arith.constant 0 : index
    %get3A_16 = arith.constant 0 : index
    %get3A_17 = vector.load %arg1[%get3A_14, %get3A_15, %get3A_16] : memref<2x10240x64xf32, #tpu.memory_space<vmem>>, vector<1x10240x64xf32>
    %get3A_18 = vector.shape_cast %get3A_17 : vector<1x10240x64xf32> to vector<10240x64xf32>
    %add3A_19 = arith.addf %get3A_13, %get3A_18 : vector<10240x64xf32>
    %concatenate3A = tpu.concatenate %add3A, %add3A_19 in 1 : vector<10240x64xf32>, vector<10240x64xf32> -> vector<10240x128xf32>
    %get3A_20 = arith.constant 0 : index
    %get3A_21 = arith.constant 0 : index
    %get3A_22 = vector.load %arg2[%get3A_20, %get3A_21] : memref<2x10240xf32, #tpu.memory_space<vmem>>, vector<2x10240xf32>
    %slice3A = vector.extract_strided_slice %get3A_22 {offsets = [1, 0], sizes = [1, 10240], strides = [1, 1]} : vector<2x10240xf32> to vector<1x10240xf32>
    %squeeze3A = vector.shape_cast %slice3A : vector<1x10240xf32> to vector<10240xf32>
    %broadcast_in_dim3A = vector.shape_cast %squeeze3A : vector<10240xf32> to vector<10240x1xf32>
    %mul3A = vector.broadcast %broadcast_in_dim3A : vector<10240x1xf32> to vector<10240x128xf32>
    %mul3A_23 = arith.mulf %concatenate3A, %mul3A : vector<10240x128xf32>
    %get3A_24 = arith.constant 0 : index
    %get3A_25 = arith.constant 0 : index
    %get3A_26 = vector.load %arg3[%get3A_24, %get3A_25] : memref<1x128xf32, #tpu.memory_space<vmem>>, vector<1x128xf32>
    %add3A_27 = vector.broadcast %get3A_26 : vector<1x128xf32> to vector<10240x128xf32>
    %add3A_28 = arith.addf %mul3A_23, %add3A_27 : vector<10240x128xf32>
    %max3A = arith.constant 0.000000e+00 : f32
    %max3A_29 = vector.broadcast %max3A : f32 to vector<10240x128xf32>
    %max3A_30 = arith.maximumf %add3A_28, %max3A_29 : vector<10240x128xf32>
    %slice3A_31 = vector.extract_strided_slice %get3A_22 {offsets = [0, 0], sizes = [1, 10240], strides = [1, 1]} : vector<2x10240xf32> to vector<1x10240xf32>
    %squeeze3A_32 = vector.shape_cast %slice3A_31 : vector<1x10240xf32> to vector<10240xf32>
    %broadcast_in_dim3A_33 = vector.shape_cast %squeeze3A_32 : vector<10240xf32> to vector<10240x1xf32>
    %mul3A_34 = vector.broadcast %broadcast_in_dim3A_33 : vector<10240x1xf32> to vector<10240x128xf32>
    %mul3A_35 = arith.mulf %max3A_30, %mul3A_34 : vector<10240x128xf32>
    %get3A_36 = arith.constant 0 : index
    %get3A_37 = arith.constant 0 : index
    %get3A_38 = vector.load %arg4[%get3A_36, %get3A_37] : memref<128x64xf32, #tpu.memory_space<vmem>>, vector<128x64xf32>
    %dot_general3A = arith.constant dense<0.000000e+00> : vector<10240x64xf32>
    %dot_general3A_39 = tpu.matmul %mul3A_35, %get3A_38, %dot_general3A {dimension_numbers = #tpu.dot_dimension_numbers<[1], [0], [0], [1], [0, 0, 1, 1], [], []>, transpose_lhs_hint = false} : vector<10240x128xf32>, vector<128x64xf32>, vector<10240x64xf32> -> vector<10240x64xf32>
    %swap3A = arith.constant 0 : index
    %swap3A_40 = arith.constant 0 : index
    %swap3A_41 = vector.load %arg5[%swap3A, %swap3A_40] : memref<10240x64xf32, #tpu.memory_space<vmem>>, vector<10240x64xf32>
    tpu.vector_store %arg5[%swap3A, %swap3A_40], %dot_general3A_39 {strides = array<i32>} : memref<10240x64xf32, #tpu.memory_space<vmem>>, vector<10240x64xf32>,
    return
  }
}

module attributes {stable_mosaic.version = 14 : i64} {
  func.func @_tc_c_body(%arg0: memref<2x10240x64xf32, #tpu.memory_space<vmem>>, %arg1: memref<2x10240xf32, #tpu.memory_space<vmem>>, %arg2: memref<1x64xf32, #tpu.memory_space<vmem>>, %arg3: memref<10000x64xf32, #tpu.memory_space<vmem>>) attributes {dimension_semantics = [], scalar_prefetch = 0 : i64, scratch_operands = 0 : i64, tpu.core_type = #tpu.core_type<tc>} {
    %get3A = arith.constant 0 : index
    %get3A_0 = arith.constant 0 : index
    %get3A_1 = arith.constant 0 : index
    %get3A_2 = vector.load %arg0[%get3A, %get3A_0, %get3A_1] : memref<2x10240x64xf32, #tpu.memory_space<vmem>>, vector<1x10240x64xf32>
    %get3A_3 = vector.shape_cast %get3A_2 : vector<1x10240x64xf32> to vector<10240x64xf32>
    %get3A_4 = arith.constant 1 : index
    %get3A_5 = arith.constant 0 : index
    %get3A_6 = arith.constant 0 : index
    %get3A_7 = vector.load %arg0[%get3A_4, %get3A_5, %get3A_6] : memref<2x10240x64xf32, #tpu.memory_space<vmem>>, vector<1x10240x64xf32>
    %get3A_8 = vector.shape_cast %get3A_7 : vector<1x10240x64xf32> to vector<10240x64xf32>
    %add3A = arith.addf %get3A_3, %get3A_8 : vector<10240x64xf32>
    %get3A_9 = arith.constant 1 : index
    %get3A_10 = arith.constant 0 : index
    %get3A_11 = vector.load %arg1[%get3A_9, %get3A_10] : memref<2x10240xf32, #tpu.memory_space<vmem>>, vector<1x10240xf32>
    %get3A_12 = vector.shape_cast %get3A_11 : vector<1x10240xf32> to vector<10240xf32>
    %broadcast_in_dim3A = vector.shape_cast %get3A_12 : vector<10240xf32> to vector<10240x1xf32>
    %mul3A = vector.broadcast %broadcast_in_dim3A : vector<10240x1xf32> to vector<10240x64xf32>
    %mul3A_13 = arith.mulf %add3A, %mul3A : vector<10240x64xf32>
    %get3A_14 = arith.constant 0 : index
    %get3A_15 = arith.constant 0 : index
    %get3A_16 = vector.load %arg2[%get3A_14, %get3A_15] : memref<1x64xf32, #tpu.memory_space<vmem>>, vector<1x64xf32>
    %add3A_17 = vector.broadcast %get3A_16 : vector<1x64xf32> to vector<10240x64xf32>
    %add3A_18 = arith.addf %mul3A_13, %add3A_17 : vector<10240x64xf32>
    %slice3A = vector.extract_strided_slice %add3A_18 {offsets = [0, 0], sizes = [10000, 64], strides = [1, 1]} : vector<10240x64xf32> to vector<10000x64xf32>
    %swap3A = arith.constant 0 : index
    %swap3A_19 = arith.constant 0 : index
    %swap3A_20 = vector.load %arg3[%swap3A, %swap3A_19] : memref<10000x64xf32, #tpu.memory_space<vmem>>, vector<10000x64xf32>
    tpu.vector_store %arg3[%swap3A, %swap3A_19], %slice3A {strides = array<i32>} : memref<10000x64xf32, #tpu.memory_space<vmem>>, vector<10000x64xf32>,
    return
  }
}

</mosaic_0001>

<sc_bundles>
// kernel: kernel.12.cloned.1.call-start
scs
__scs_entry_jumppad:
0x0: {  	(pc) =	sbr.rel $0x88, $3  }
0x1: {  	(tag) =	ssettag $0x0;
	lr =	simm.s32 $0x1  }
0x2: {  	[smem:$0x3F9B] =	sst lr;
	_ =	strace $0xD0000000  }
0x3: {  	_ = 	snop  }
0x4: {  	_ = 	snop  }
0x5: {  	_ = 	snop  }
0x6: {  	_ = 	snop  }
0x7: {  	_ = 	snop  }
__scs_overlays_trampoline_lowered:
0x8: {  	[smem:$0x3FAA] =	sst s0  }
0x9: {  	[smem:$0x3FAB] =	sst s1  }
0xa: {  	[smem:$0x3FAC] =	sst s2  }
0xb: {  	[smem:$0x3FAD] =	sst s3  }
0xc: {  	[smem:$0x3FAE] =	sst s4  }
0xd: {  	[smem:$0x3FAF] =	sst s5  }
0xe: {  	[smem:$0x3FB0] =	sst s6  }
0xf: {  	[smem:$0x3FB1] =	sst s7  }
0x10: {  	[smem:$0x3FB2] =	sst s8  }
0x11: {  	[smem:$0x3FB3] =	sst s9;
	s0 =	simm.s32 @!p0 $0x0  }
0x12: {  	s1 =	sld [smem:$0x3F99];
	s0 =	simm.s32 @p0 $0x1  }
0x13: {  	[smem:$0x3FB4] =	sst s0;
	s0 =	simm.s32 @!p1 $0x0  }
0x14: {  	s2 =	sld [smem:$0x3F98];
	s0 =	simm.s32 @p1 $0x1  }
0x15: {  	[smem:$0x3FB5] =	sst s0;
	s0 =	simm.s32 @!p2 $0x0  }
0x16: {  	s3 =	sld [smem:$0x3FDB];
	s0 =	simm.s32 @p2 $0x1  }
0x17: {  	s4 =	simm.s32 $0x1BF5;
	[smem:$0x3FB7] =	sst s0  }
0x18: {  	s0 =	sld [smem:$0x3F9A];
	_ =	swait.ge [sflag:s4], $0x0  }
0x19: {  	s7 =	sld [smem:$0x3F9B]  }
0x1a: {  	s8 =	sadd.s32 $0xFFFFE003, lr  }
0x1b: {  	s9 =	sadd.s32 $0xFFFFFEF7, lr;
	s5 =	simm.s32 $0xFFFFFFFF;
	p2 =	slt.u32 s8, $0xFFFFF086  }
0x1c: {  	p1 =	slt.u32 s9, $0xF7A;
	s5 =	simm.s32 @!p2 $0x0  }
0x1d: {  	s5 =	simm.s32 @p1 $0x1;
	p0 =	seq.s32 s7, s2  }
0x1e: {  	s7 =	smul.u32 @!p0 $0xF7A, s2;
	p2 =	seq.s32 @!p0 s5, $0x0  }
0x1f: {  	s9 =	smul.u32 $0xF7A, s1;
	s8 =	simm.s32 @!p0 $0x1BF5;
	p2 =	por !p2, p0  }
0x20: {  	[sflag:s8] =	ssyncset.s32 @!p0 $0xFFFFF086;
	s6 =	sadd.s32 @!p0 s3, s7;
	s7 =	simm.s32 @!p0 $0x108  }
0x21: {  	s3 =	sadd.s32 s3, s9;
	s6 =	sadd.s32 @!p0 $0x88, s6;
	s7 =	simm.s32 @p2 $0x1082  }
0x22: {  	[simem:s7], [sflag:s8] =	dma.local @!p0 [hbm:s6], $0xF7A  }
0x23: {  	s9 =	sor.u32 $0xD0000000, s2;
	s6 =	simm.s32 $0x108;
	_ =	swait.ge @!p0 [sflag:s8], $0x0  }
0x24: {  	s3 =	sadd.s32 $0x88, s3;
	s6 =	simm.s32 @!p1 $0x1082;
	[sflag:s4] =	ssyncset.s32 $0xFFFFF086  }
0x25: {  	[simem:s6], [sflag:s4] =	dma.local [hbm:s3], $0xF7A  }
0x26: {  	[smem:$0x3F9B] =	sst s1;
	(tag) =	ssettag s2;
	_ =	strace s9  }
0x27: {  	s1 =	sld [smem:$0x3FAB]  }
0x28: {  	s2 =	sld [smem:$0x3FAC]  }
0x29: {  	s4 =	sld [smem:$0x3FAE]  }
0x2a: {  	p0 =	seq.s32 s5, $0x0;
	s5 =	sld [smem:$0x3FAF]  }
0x2b: {  	s6 =	sld [smem:$0x3FB0]  }
0x2c: {  	s7 =	sld [smem:$0x3FB1]  }
0x2d: {  	s3 =	simm.s32 $0x108;
	s8 =	sld [smem:$0x3FB2]  }
0x2e: {  	s3 =	simm.s32 @!p0 $0x1082;
	s9 =	sld [smem:$0x3FB3]  }
0x2f: {  	lr =	sadd.s32 s0, s3;
	s0 =	sld [smem:$0x3FAA]  }
0x30: {  	s3 =	sld [smem:$0x3FAD]  }
0x31: {  	[smem:$0x3FB6] =	sst s10  }
0x32: {  	s10 =	sld [smem:$0x3FB4];
	_ =	sdelay $0x3  }
0x33: {  	p0 =	seq.s32 s10, $0x1;
	s10 =	sld [smem:$0x3FB6];
	_ =	sdelay $0x3  }
0x34: {  	[smem:$0x3FB6] =	sst s10  }
0x35: {  	s10 =	sld [smem:$0x3FB5];
	_ =	sdelay $0x3  }
0x36: {  	p1 =	seq.s32 s10, $0x1;
	s10 =	sld [smem:$0x3FB6];
	_ =	sdelay $0x3  }
0x37: {  	[smem:$0x3FB6] =	sst s10  }
0x38: {  	s10 =	sld [smem:$0x3FB7]  }
0x39: {  	_ = 	snop;
	(pc) =	sbr.ind lr, $3  }
0x3a: {  	_ = 	snop  }
0x3b: {  	_ = 	snop  }
0x3c: {  	p2 =	seq.s32 s10, $0x1;
	s10 =	sld [smem:$0x3FB6]  }
0x3d: {  	_ =	shalt  }
0x3e: {  	_ =	shalt  }
0x3f: {  	_ =	shalt  }
0x40: {  	_ =	shalt  }
0x41: {  	_ =	shalt  }
0x42: {  	_ =	shalt  }
0x43: {  	_ =	shalt  }
0x44: {  	_ =	shalt  }
0x45: {  	_ =	shalt  }
0x46: {  	_ =	shalt  }
0x47: {  	_ =	shalt  }
0x48: {  	_ =	shalt  }
0x49: {  	_ =	shalt  }
0x4a: {  	_ =	shalt  }
0x4b: {  	_ =	shalt  }
0x4c: {  	_ =	shalt  }
0x4d: {  	_ =	shalt  }
0x4e: {  	_ =	shalt  }
0x4f: {  	_ =	shalt  }
0x50: {  	_ =	shalt  }
0x51: {  	_ =	shalt  }
0x52: {  	_ =	shalt  }
0x53: {  	_ =	shalt  }
0x54: {  	_ =	shalt  }
0x55: {  	_ =	shalt  }
0x56: {  	_ =	shalt  }
0x57: {  	_ =	shalt  }
0x58: {  	_ =	shalt  }
0x59: {  	_ =	shalt  }
0x5a: {  	_ =	shalt  }
0x5b: {  	_ =	shalt  }
0x5c: {  	_ =	shalt  }
0x5d: {  	_ =	shalt  }
0x5e: {  	_ =	shalt  }
0x5f: {  	_ =	shalt  }
0x60: {  	_ =	shalt  }
0x61: {  	_ =	shalt  }
0x62: {  	_ =	shalt  }
0x63: {  	_ =	shalt  }
0x64: {  	_ =	shalt  }
0x65: {  	_ =	shalt  }
0x66: {  	_ =	shalt  }
0x67: {  	_ =	shalt  }
0x68: {  	_ =	shalt  }
0x69: {  	_ =	shalt  }
0x6a: {  	_ =	shalt  }
0x6b: {  	_ =	shalt  }
0x6c: {  	_ =	shalt  }
0x6d: {  	_ =	shalt  }
0x6e: {  	_ =	shalt  }
0x6f: {  	_ =	shalt  }
0x70: {  	_ =	shalt  }
0x71: {  	_ =	shalt  }
0x72: {  	_ =	shalt  }
0x73: {  	_ =	shalt  }
0x74: {  	_ =	shalt  }
0x75: {  	_ =	shalt  }
0x76: {  	_ =	shalt  }
0x77: {  	_ =	shalt  }
0x78: {  	_ =	shalt  }
0x79: {  	_ =	shalt  }
0x7a: {  	_ =	shalt  }
0x7b: {  	_ =	shalt  }
0x7c: {  	_ =	shalt  }
0x7d: {  	_ =	shalt  }
0x7e: {  	_ =	shalt  }
0x7f: {  	_ =	shalt  }
0x80: {  	_ =	shalt  }
0x81: {  	_ =	shalt  }
0x82: {  	_ =	shalt  }
0x83: {  	_ =	shalt  }
0x84: {  	_ =	shalt  }
0x85: {  	_ =	shalt  }
0x86: {  	_ =	shalt  }
0x87: {  	_ =	shalt  }
.Lfunc_end0:
.L_simem_size_0:
called_computation.1_lowered:
.L_overlay_start_0:
0x88: {  	s2 =	sld [smem:$0x3FD9]  }
0x89: {  	s3 =	sld [smem:$0x3FFE];
	_ =	sdelay $0x1  }
0x8a: {  	s1 =	srdreg.scid  }
0x8b: {  	s0 =	sand.u32 $0x1, s1  }
0x8c: {  	s17 =	sshll.u32 s0, $0xA;
	s2 =	sadd.s32 s3, s2  }
0x8d: {  	s2 =	sadd.s32 s2, s17  }
0x8e: {  	[smem:$0x3FC2] =	sst s2  }
0x8f: {  	_ = 	snop  }
0x90: {  	s18 =	sld [smem:$0x3FD0];
	(tm) =	ssettm $0x1  }
0x91: {  	s19 =	sld [smem:$0x3FFB];
	_ =	sdelay $0x3  }
0x92: {  	_ =	strace s19  }
0x93: {  	s2 =	sld [smem:$0x3FFC];
	_ =	sdelay $0x3  }
0x94: {  	_ =	strace s2  }
0x95: {  	s2 =	sld [smem:$0x3FFD];
	_ =	sdelay $0x3  }
0x96: {  	_ =	strace s2  }
0x97: {  	_ =	strace $0x8FFFFFFF  }
0x98: {  	s20 =	sld [smem:$0x3FDB];
	_ =	sdelay $0x1  }
0x99: {  	s4 =	simm.s32 $_scs_section_size  }
0x9a: {  	s5 =	simm.s32 $_size__tile_overlayer_lowered;
	s6 =	simm.s32 $_tile_overlayer_lowered  }
0x9b: {  	s7 =	simm.s32 $0x1BFF;
	s21 =	sshll.u32 s6, $0x1;
	s4 =	sadd.s32 s4, s20  }
0x9c: {  	s22 =	simm.s32 $0x0;
	s5 =	sshll.u32 s5, $0x1;
	s6 =	sadd.s32 s21, s4  }
0x9d: {  	[timem:s22], [sflag:s7] =	dma.local [hbm:s6], s5  }
0x9e: {  	_ =	swait.ge [sflag:s7], s5  }
0x9f: {  	s5 =	ssub.s32 $0x0, s5;
	[sflag:s7] =	ssyncset.done $0x0  }
0xa0: {  	[sflag:s7] =	ssyncadd.s32 s5;
	_ =	sdelay $0x1  }
0xa1: {  	s23 =	simm.s32 $0x1B8B  }
0xa2: {  	_ =	swait.ge [sflag:s23], $0x1  }
0xa3: {  	[sflag:s23] =	ssyncset.done $0x0  }
0xa4: {  	[sflag:s23] =	ssyncadd.s32 $0xFFFFFFFF  }
0xa5: {  	s5 =	sld [smem:$0x0]  }
0xa6: {  	s6 =	sand.u32 $0xFFFFFFFE, s1  }
0xa7: {  	p0 =	sne.s32 s1, s6  }
0xa8: {  	s6 =	sshll.u32 @p0 s6, $0xE  }
0xa9: {  	s6 =	sadd.s32 @p0 $0x11B8D, s6;
	s7 =	sshll.u32 @p0 s5, $0x11  }
0xaa: {  	s6 =	sor.u32 @p0 s7, s6  }
0xab: {  	[sflag:s6] =	ssyncadd.remote.s32 @p0 $0x1;
	_ =	sdelay $0x1  }
0xac: {  	s6 =	simm.s32 @p0 $0x1B8D  }
0xad: {  	_ =	swait.eq @p0 [sflag:s6], $0x1  }
0xae: {  	[sflag:s6] =	ssyncadd.s32 @p0 $0xFFFFFFFF  }
0xaf: {  	s7 =	sshll.u32 @!p0 s1, $0xE  }
0xb0: {  	s7 =	sor.u32 @!p0 $0x4000, s7;
	s6 =	simm.s32 @!p0 $0x1B8D  }
0xb1: {  	s5 =	sshll.u32 @!p0 s5, $0x11;
	s7 =	sadd.s32 @!p0 $0x11B8D, s7;
	_ =	swait.eq @!p0 [sflag:s6], $0x1  }
0xb2: {  	s5 =	sor.u32 @!p0 s5, s7;
	[sflag:s6] =	ssyncadd.s32 @!p0 $0xFFFFFFFF  }
0xb3: {  	s25 =	simm.s32 $0x1B8E;
	s24 =	sld [smem:$0x3FFE];
	[sflag:s5] =	ssyncadd.remote.s32 @!p0 $0x1  }
0xb4: {  	s26 =	simm.s32 $execute0_lowered;
	[smem:$0x3FD2] =	sst s25  }
0xb5: {  	s6 =	sshll.u32 s26, $0x1;
	_ =	strace $0x8000004C;
	[dreg:$0x1] =	wrdreg $0xFFFFFFFF  }
0xb6: {  	s28 =	simm.s32 $_size_execute0_lowered;
	s4 =	sadd.s32 s4, s6;
	[dreg:$0x0] =	wrdreg $0x0  }
0xb7: {  	s6 =	sshll.u32 s28, $0x1;
	[dreg:$0x2] =	wrdreg s4  }
0xb8: {  	[dreg:$0x3] =	wrdreg s6  }
0xb9: {  	[dreg:$0x4] =	wrdreg $0xC0  }
0xba: {  	_ =	task [dreg:s22], $0x5FFFF  }
0xbb: {  	[dreg:$0x1] =	wrdreg $0xFFFFFFFF  }
0xbc: {  	[dreg:$0x0] =	wrdreg $0x60  }
0xbd: {  	[dreg:$0x2] =	wrdreg s24  }
0xbe: {  	[dreg:$0x3] =	wrdreg s18  }
0xbf: {  	[dreg:$0x4] =	wrdreg $0x90000  }
0xc0: {  	[dreg:$0x5] =	wrdreg $0x9  }
0xc1: {  	_ =	task.clear_ibuf [dreg:s22], $0x6FFFF;
	_ =	strace $0x9000004C  }
0xc2: {  	s29 =	simm.s32 $0x9;
	_ =	strace $0x8000004E  }
0xc3: {  	_ =	swait.ge [sflag:s29], $0x1  }
0xc4: {  	[sflag:s29] =	ssyncadd.s32 $0xFFFFFFFF  }
0xc5: {  	_ =	strace $0x9000004E  }
0xc6: {  	_ =	sfence  }
0xc7: {  	s30 =	sld [smem:$0x0];
	_ =	sdelay $0x2  }
0xc8: {  	s31 =	sshll.u32 s1, $0xD;
	s1 =	sshrl.u32 s1, $0x2  }
0xc9: {  	s4 =	sand.u32 $0x4000, s31;
	s1 =	sadd.s32 s1, s30  }
0xca: {  	s0 =	sor.u32 s4, s0;
	s1 =	sshll.u32 s1, $0x11  }
0xcb: {  	s0 =	sor.u32 s1, s0  }
0xcc: {  	s0 =	sadd.s32 $0x8F2B, s0  }
0xcd: {  	[sflag:s0] =	ssyncadd.remote.s32 $0x1  }
0xce: {  	_ =	sfence.sel $0xFFFF  }
0xcf: {  	[dreg:$0x0] =	wrdreg $0xFFFFFFFF;
	(pc) =	sbr.abs _section_cstart, $3  }
0xd0: {  	[dreg:$0x1] =	wrdreg $0xFFFFFFFF  }
0xd1: {  	_ =	task.clear_ibuf [dreg:s22], $0x2FFFF;
	_ =	strace $0x9FFFFFFF  }
0xd2: {  	(tm) =	ssettm $0x7FFFFFFF  }
0xd3: {  	_ =	shalt  }
tec
execute0_lowered:
.L_overlay_start_1:
0x0: {  	(tag) =	ssettag $0x1  }
0x1: {  	s1 =	srdreg.scid;
	s6 =	rddreg [dreg:$0x0]  }
0x2: {  	s0 =	stileid.u32;
	s7 =	rddreg [dreg:$0x1]  }
0x3: {  	s2 =	rddreg [dreg:$0x2];
	s3 =	simm.s32 $0x0;
	s15 =	simm.s32 $0x2  }
0x4: {  	s16 =	simm.s32 $0x2800;
	s17 =	simm.s32 $0x7000;
	s18 =	simm.s32 $0x80  }
0x5: {  	s19 =	simm.s32 $0x5000;
	s20 =	simm.s32 $0x1;
	s23 =	simm.s32 $0x0  }
0x6: {  	s5 =	sand.u32 $0x1, s1;
	s30 =	sshll.u32 s0, $0x1;
	s10 =	smul.u32 $0xA000, s0  }
0x7: {  	[smem:$0x7FF] =	sst s3;
	s4 =	sadd.s32 $0x48200, s6;
	s14 =	smul.u32 $0x28000, s0  }
0x8: {  	s21 =	sshll.u32 s0, $0x6;
	s1 =	sor.u32 s5, s30;
	s9 =	smul.u32 $0xA0000, s5  }
0x9: {  	s12 =	ssub.s32 $0x2, s5;
	s5 =	sadd.s32 $0x1FE00, s6;
	s21 =	sor.u32 $0x1C02, s21  }
0xa: {  	s8 =	smul.u32 $0x500, s1;
	s1 =	rddreg [dreg:$0x3];
	_ =	strace $0x8000004D  }
0xb: {  	s13 =	sshrl.u32 s12, $0x1;
	s31 =	sshrl.u32 s14, $0x2;
	s22 =	sadd.s32 s10, s2  }
0xc: {  	s9 =	sadd.s32 s10, s9;
	s12 =	ssub.s32 s12, s13;
	s22 =	sshrl.u32 s22, $0x3  }
0xd: {  	s11 =	sadd.s32 s8, s6;
	s9 =	sshrl.u32 s9, $0x3;
	s7 =	sadd.s32 s7, s8  }
0xe: {  	s8 =	sadd.s32 s31, s2;
	s10 =	smax.u32 s12, $0x1;
	s9 =	sadd.s32 s9, s6  }
0xf: {  	s6 =	sadd.s32 $0x1E00, s11;
	s11 =	sadd.s32 $0x2000, s8;
	s12 =	sadd.s32 $0x4000, s8  }
0x10: {  	s13 =	sadd.s32 $0x6000, s8;
	s14 =	sadd.s32 $0x8000, s8;
	s9 =	sadd.s32 $0x5C200, s9  }
.LBB2_1:
0x11: {  	[tilespmem:s3], [sflag:$0x2] =	stream.linear.gather [hbm4b:s6+s3], $0x2800, $0x38;
	[tilespmem:$0x13000] =	vst v63  }
0x12: {  	_ =	swait.ge [sflag:s15], $0x2800  }
0x13: {  	[sflag:s15] =	ssyncset.done $0x0  }
0x14: {  	[sflag:s15] =	ssyncadd.s32 $0xFFFFD800  }
0x15: {  	[tilespmem:s16], [sflag:$0x2] =	stream.linear.gather [hbm4b:s7+s3], $0x2800, $0x38;
	[tilespmem:$0x13000] =	vst v63  }
0x16: {  	_ =	swait.ge [sflag:s15], $0x2800  }
0x17: {  	[sflag:s15] =	ssyncset.done $0x0  }
0x18: {  	[sflag:s15] =	ssyncadd.s32 $0xFFFFD800  }
0x19: {  	[tilespmem:s17], [sflag:$0x2] =	stream.linear.gather [hbm4b:s5+s3], $0x2000, $0x38;
	[tilespmem:$0x13000] =	vst v63  }
0x1a: {  	_ =	swait.ge [sflag:s15], $0x2000  }
0x1b: {  	[sflag:s15] =	ssyncset.done $0x0  }
0x1c: {  	[sflag:s15] =	ssyncadd.s32 $0xFFFFE000  }
0x1d: {  	[spmem:s8] =	stream.linear.scatter [tilespmem:s17], [sflag:$0x2], $0x2000, $0x38;
	[tilespmem:$0x13000] =	vst v63  }
0x1e: {  	_ =	swait.ge [sflag:s15], $0x2000  }
0x1f: {  	[sflag:s15] =	ssyncset.done $0x0  }
0x20: {  	[sflag:s15] =	ssyncadd.s32 $0xFFFFE000  }
0x21: {  	[spmem:s11] =	stream.linear.scatter [tilespmem:s17], [sflag:$0x2], $0x2000, $0x38;
	[tilespmem:$0x13000] =	vst v63  }
0x22: {  	_ =	swait.ge [sflag:s15], $0x2000  }
0x23: {  	[sflag:s15] =	ssyncset.done $0x0  }
0x24: {  	[sflag:s15] =	ssyncadd.s32 $0xFFFFE000  }
0x25: {  	[spmem:s12] =	stream.linear.scatter [tilespmem:s17], [sflag:$0x2], $0x2000, $0x38;
	[tilespmem:$0x13000] =	vst v63  }
0x26: {  	_ =	swait.ge [sflag:s15], $0x2000  }
0x27: {  	[sflag:s15] =	ssyncset.done $0x0  }
0x28: {  	[sflag:s15] =	ssyncadd.s32 $0xFFFFE000  }
0x29: {  	[spmem:s13] =	stream.linear.scatter [tilespmem:s17], [sflag:$0x2], $0x2000, $0x38;
	[tilespmem:$0x13000] =	vst v63  }
0x2a: {  	_ =	swait.ge [sflag:s15], $0x2000  }
0x2b: {  	[sflag:s15] =	ssyncset.done $0x0  }
0x2c: {  	[sflag:s15] =	ssyncadd.s32 $0xFFFFE000  }
0x2d: {  	[spmem:s14] =	stream.linear.scatter [tilespmem:s17], [sflag:$0x2], $0x2000, $0x38;
	[tilespmem:$0x13000] =	vst v63  }
0x2e: {  	_ =	swait.ge [sflag:s15], $0x2000  }
0x2f: {  	[sflag:s15] =	ssyncset.done $0x0  }
0x30: {  	[sflag:s15] =	ssyncadd.s32 $0xFFFFE000  }
0x31: {  	s24 =	simm.s32 $0x0;
	[bflag:$0x0] =	sbarrier.arrive $0xFFFF  }
0x32: {  	[tilespmem:s19], [sflag:$0x1] =	stream.indirect.gather [hbm4b:s4+s18], $0x40, s24, s18, $0xb8;
	[tilespmem:$0x13000] =	vst v63  }
0x33: {  	_ =	swait.ge [sflag:s20], $0x2000  }
0x34: {  	[sflag:s20] =	ssyncset.done $0x0  }
0x35: {  	s31 =	simm.s32 $0x2800;
	[sflag:s20] =	ssyncadd.s32 $0xFFFFE000  }
0x36: {  	[spmem:s2] =	stream.indirect.scatter.add.f32 [tilespmem:s19], [sflag:$0x2], $0x40, s31, s18, $0xb8;
	[tilespmem:$0x13000] =	vst v63  }
0x37: {  	_ =	swait.ge [sflag:s15], $0x2000  }
0x38: {  	s25 =	simm.s32 $0x400;
	s24 =	simm.s32 $0x200;
	[sflag:s15] =	ssyncset.done $0x0  }
.LBB2_2:
0x39: {  	s26 =	sshra.s32 s24, $0x2  }
0x3a: {  	[sflag:s15] =	ssyncadd.s32 $0xFFFFE000;
	s24 =	smov.u32 s25;
	s28 =	sadd.s32 $0x200, s25  }
0x3b: {  	[tilespmem:s19], [sflag:$0x1] =	stream.indirect.gather [hbm4b:s4+s18], $0x40, s26, s18, $0xb8;
	[tilespmem:$0x13000] =	vst v63  }
0x3c: {  	p0 =	sne.s32 s25, $0x9E00;
	_ =	swait.ge [sflag:s20], $0x2000  }
.Ltmp0:
0x3d: {  	[sflag:s20] =	ssyncset.done $0x0;
	(pc) =	sbr.rel @p0 .LBB2_2-.Ltmp0, $4  }
0x3e: {  	s25 =	sadd.s32 $0x2800, s26;
	[sflag:s20] =	ssyncadd.s32 $0xFFFFE000  }
0x3f: {  	[spmem:s2] =	stream.indirect.scatter.add.f32 [tilespmem:s19], [sflag:$0x2], $0x40, s25, s18, $0xb8;
	[tilespmem:$0x13000] =	vst v63  }
0x40: {  	_ =	swait.ge [sflag:s15], $0x2000  }
0x41: {  	s25 =	smov.u32 s28;
	[sflag:s15] =	ssyncset.done $0x0  }
0x42: {  	s24 =	sshra.s32 s24, $0x2;
	[sflag:s15] =	ssyncadd.s32 $0xFFFFE000  }
0x43: {  	[tilespmem:s19], [sflag:$0x1] =	stream.indirect.gather [hbm4b:s4+s18], $0x40, s24, s18, $0xb8;
	[tilespmem:$0x13000] =	vst v63  }
0x44: {  	_ =	swait.ge [sflag:s20], $0x2000  }
0x45: {  	[sflag:s20] =	ssyncset.done $0x0  }
0x46: {  	s24 =	sadd.s32 $0x2800, s24;
	[sflag:s20] =	ssyncadd.s32 $0xFFFFE000  }
0x47: {  	[spmem:s2] =	stream.indirect.scatter.add.f32 [tilespmem:s19], [sflag:$0x2], $0x40, s24, s18, $0xb8;
	[tilespmem:$0x13000] =	vst v63  }
0x48: {  	_ =	swait.ge [sflag:s15], $0x2000  }
0x49: {  	s23 =	sadd.s32 $0x1, s23;
	[sflag:s15] =	ssyncset.done $0x0  }
0x4a: {  	p0 =	sne.s32 s23, s10;
	[sflag:s15] =	ssyncadd.s32 $0xFFFFE000  }
.Ltmp1:
0x4b: {  	[bflag:$0x0] =	sbarrier.arrive $0xFFFF;
	(pc) =	sbr.rel @p0 .LBB2_1-.Ltmp1, $4  }
0x4c: {  	[hbm:s9], [sflag:s21] =	dma.local [spmem:s22], $0x1400  }
0x4d: {  	_ =	swait.ge [sflag:s15], $0x1400  }
0x4e: {  	[sflag:s15] =	ssyncset.done $0x0  }
0x4f: {  	[sflag:s15] =	ssyncadd.s32 $0xFFFFEC00  }
0x50: {  	_ =	sfence.sel $0x180000  }
0x51: {  	[bflag:$0x0] =	sbarrier.arrive $0xFFFF  }
0x52: {  	p0 =	sne.s32 s0, $0x0;
	_ =	strace $0x9000004D  }
0x53: {  	s0 =	sadd.s32 @!p0 $0x100000, s1;
	[bflag:$0x2] =	sbarrier.arrive $0xFFFF  }
0x54: {  	[sflag:s0] =	ssyncadd.tile.s32 @!p0 $0x1;
	_ =	shalt  }
.Lfunc_end2:
_tile_overlayer_lowered:
.L_overlay_start_2:
0x55: {  	(tag) =	ssettag $0x2  }
0x56: {  	s0 =	rddreg [dreg:$0x0];
	s2 =	stileid.u32  }
0x57: {  	s1 =	rddreg [dreg:$0x1];
	p0 =	sne.s32 s2, $0x0  }
0x58: {  	s3 =	rddreg [dreg:$0x2];
	[bflag:$0x3] =	sbarrier.arrive $0xFFFF;
	s2 =	simm.s32 @!p0 $0x1C02  }
0x59: {  	[timem:s3], [sflag:s2] =	dma.local @!p0 [hbm:s0], s1  }
0x5a: {  	s0 =	simm.s32 @!p0 $0x2  }
0x5b: {  	_ =	swait.ge @!p0 [sflag:s0], s1  }
0x5c: {  	s1 =	ssub.s32 @!p0 $0x0, s1;
	[sflag:s0] =	ssyncset.done @!p0 $0x0  }
0x5d: {  	[sflag:s0] =	ssyncadd.s32 @!p0 s1  }
0x5e: {  	[bflag:$0x3] =	sbarrier.arrive $0xFFFF  }
0x5f: {  	_ =	shalt  }

// kernel: kernel.15.cloned.1.call-start
scs
__scs_entry_jumppad:
0x0: {  	(pc) =	sbr.rel $0x88, $3  }
0x1: {  	(tag) =	ssettag $0x0;
	lr =	simm.s32 $0x1  }
0x2: {  	[smem:$0x3F9B] =	sst lr;
	_ =	strace $0xD0000000  }
0x3: {  	_ = 	snop  }
0x4: {  	_ = 	snop  }
0x5: {  	_ = 	snop  }
0x6: {  	_ = 	snop  }
0x7: {  	_ = 	snop  }
__scs_overlays_trampoline_lowered:
0x8: {  	[smem:$0x3FAA] =	sst s0  }
0x9: {  	[smem:$0x3FAB] =	sst s1  }
0xa: {  	[smem:$0x3FAC] =	sst s2  }
0xb: {  	[smem:$0x3FAD] =	sst s3  }
0xc: {  	[smem:$0x3FAE] =	sst s4  }
0xd: {  	[smem:$0x3FAF] =	sst s5  }
0xe: {  	[smem:$0x3FB0] =	sst s6  }
0xf: {  	[smem:$0x3FB1] =	sst s7  }
0x10: {  	[smem:$0x3FB2] =	sst s8  }
0x11: {  	[smem:$0x3FB3] =	sst s9;
	s0 =	simm.s32 @!p0 $0x0  }
0x12: {  	s1 =	sld [smem:$0x3F99];
	s0 =	simm.s32 @p0 $0x1  }
0x13: {  	[smem:$0x3FB4] =	sst s0;
	s0 =	simm.s32 @!p1 $0x0  }
0x14: {  	s2 =	sld [smem:$0x3F98];
	s0 =	simm.s32 @p1 $0x1  }
0x15: {  	[smem:$0x3FB5] =	sst s0;
	s0 =	simm.s32 @!p2 $0x0  }
0x16: {  	s3 =	sld [smem:$0x3FDB];
	s0 =	simm.s32 @p2 $0x1  }
0x17: {  	s4 =	simm.s32 $0x1BF5;
	[smem:$0x3FB7] =	sst s0  }
0x18: {  	s0 =	sld [smem:$0x3F9A];
	_ =	swait.ge [sflag:s4], $0x0  }
0x19: {  	s7 =	sld [smem:$0x3F9B]  }
0x1a: {  	s8 =	sadd.s32 $0xFFFFE003, lr  }
0x1b: {  	s9 =	sadd.s32 $0xFFFFFEF7, lr;
	s5 =	simm.s32 $0xFFFFFFFF;
	p2 =	slt.u32 s8, $0xFFFFF086  }
0x1c: {  	p1 =	slt.u32 s9, $0xF7A;
	s5 =	simm.s32 @!p2 $0x0  }
0x1d: {  	s5 =	simm.s32 @p1 $0x1;
	p0 =	seq.s32 s7, s2  }
0x1e: {  	s7 =	smul.u32 @!p0 $0xF7A, s2;
	p2 =	seq.s32 @!p0 s5, $0x0  }
0x1f: {  	s9 =	smul.u32 $0xF7A, s1;
	s8 =	simm.s32 @!p0 $0x1BF5;
	p2 =	por !p2, p0  }
0x20: {  	[sflag:s8] =	ssyncset.s32 @!p0 $0xFFFFF086;
	s6 =	sadd.s32 @!p0 s3, s7;
	s7 =	simm.s32 @!p0 $0x108  }
0x21: {  	s3 =	sadd.s32 s3, s9;
	s6 =	sadd.s32 @!p0 $0x88, s6;
	s7 =	simm.s32 @p2 $0x1082  }
0x22: {  	[simem:s7], [sflag:s8] =	dma.local @!p0 [hbm:s6], $0xF7A  }
0x23: {  	s9 =	sor.u32 $0xD0000000, s2;
	s6 =	simm.s32 $0x108;
	_ =	swait.ge @!p0 [sflag:s8], $0x0  }
0x24: {  	s3 =	sadd.s32 $0x88, s3;
	s6 =	simm.s32 @!p1 $0x1082;
	[sflag:s4] =	ssyncset.s32 $0xFFFFF086  }
0x25: {  	[simem:s6], [sflag:s4] =	dma.local [hbm:s3], $0xF7A  }
0x26: {  	[smem:$0x3F9B] =	sst s1;
	(tag) =	ssettag s2;
	_ =	strace s9  }
0x27: {  	s1 =	sld [smem:$0x3FAB]  }
0x28: {  	s2 =	sld [smem:$0x3FAC]  }
0x29: {  	s4 =	sld [smem:$0x3FAE]  }
0x2a: {  	p0 =	seq.s32 s5, $0x0;
	s5 =	sld [smem:$0x3FAF]  }
0x2b: {  	s6 =	sld [smem:$0x3FB0]  }
0x2c: {  	s7 =	sld [smem:$0x3FB1]  }
0x2d: {  	s3 =	simm.s32 $0x108;
	s8 =	sld [smem:$0x3FB2]  }
0x2e: {  	s3 =	simm.s32 @!p0 $0x1082;
	s9 =	sld [smem:$0x3FB3]  }
0x2f: {  	lr =	sadd.s32 s0, s3;
	s0 =	sld [smem:$0x3FAA]  }
0x30: {  	s3 =	sld [smem:$0x3FAD]  }
0x31: {  	[smem:$0x3FB6] =	sst s10  }
0x32: {  	s10 =	sld [smem:$0x3FB4];
	_ =	sdelay $0x3  }
0x33: {  	p0 =	seq.s32 s10, $0x1;
	s10 =	sld [smem:$0x3FB6];
	_ =	sdelay $0x3  }
0x34: {  	[smem:$0x3FB6] =	sst s10  }
0x35: {  	s10 =	sld [smem:$0x3FB5];
	_ =	sdelay $0x3  }
0x36: {  	p1 =	seq.s32 s10, $0x1;
	s10 =	sld [smem:$0x3FB6];
	_ =	sdelay $0x3  }
0x37: {  	[smem:$0x3FB6] =	sst s10  }
0x38: {  	s10 =	sld [smem:$0x3FB7]  }
0x39: {  	_ = 	snop;
	(pc) =	sbr.ind lr, $3  }
0x3a: {  	_ = 	snop  }
0x3b: {  	_ = 	snop  }
0x3c: {  	p2 =	seq.s32 s10, $0x1;
	s10 =	sld [smem:$0x3FB6]  }
0x3d: {  	_ =	shalt  }
0x3e: {  	_ =	shalt  }
0x3f: {  	_ =	shalt  }
0x40: {  	_ =	shalt  }
0x41: {  	_ =	shalt  }
0x42: {  	_ =	shalt  }
0x43: {  	_ =	shalt  }
0x44: {  	_ =	shalt  }
0x45: {  	_ =	shalt  }
0x46: {  	_ =	shalt  }
0x47: {  	_ =	shalt  }
0x48: {  	_ =	shalt  }
0x49: {  	_ =	shalt  }
0x4a: {  	_ =	shalt  }
0x4b: {  	_ =	shalt  }
0x4c: {  	_ =	shalt  }
0x4d: {  	_ =	shalt  }
0x4e: {  	_ =	shalt  }
0x4f: {  	_ =	shalt  }
0x50: {  	_ =	shalt  }
0x51: {  	_ =	shalt  }
0x52: {  	_ =	shalt  }
0x53: {  	_ =	shalt  }
0x54: {  	_ =	shalt  }
0x55: {  	_ =	shalt  }
0x56: {  	_ =	shalt  }
0x57: {  	_ =	shalt  }
0x58: {  	_ =	shalt  }
0x59: {  	_ =	shalt  }
0x5a: {  	_ =	shalt  }
0x5b: {  	_ =	shalt  }
0x5c: {  	_ =	shalt  }
0x5d: {  	_ =	shalt  }
0x5e: {  	_ =	shalt  }
0x5f: {  	_ =	shalt  }
0x60: {  	_ =	shalt  }
0x61: {  	_ =	shalt  }
0x62: {  	_ =	shalt  }
0x63: {  	_ =	shalt  }
0x64: {  	_ =	shalt  }
0x65: {  	_ =	shalt  }
0x66: {  	_ =	shalt  }
0x67: {  	_ =	shalt  }
0x68: {  	_ =	shalt  }
0x69: {  	_ =	shalt  }
0x6a: {  	_ =	shalt  }
0x6b: {  	_ =	shalt  }
0x6c: {  	_ =	shalt  }
0x6d: {  	_ =	shalt  }
0x6e: {  	_ =	shalt  }
0x6f: {  	_ =	shalt  }
0x70: {  	_ =	shalt  }
0x71: {  	_ =	shalt  }
0x72: {  	_ =	shalt  }
0x73: {  	_ =	shalt  }
0x74: {  	_ =	shalt  }
0x75: {  	_ =	shalt  }
0x76: {  	_ =	shalt  }
0x77: {  	_ =	shalt  }
0x78: {  	_ =	shalt  }
0x79: {  	_ =	shalt  }
0x7a: {  	_ =	shalt  }
0x7b: {  	_ =	shalt  }
0x7c: {  	_ =	shalt  }
0x7d: {  	_ =	shalt  }
0x7e: {  	_ =	shalt  }
0x7f: {  	_ =	shalt  }
0x80: {  	_ =	shalt  }
0x81: {  	_ =	shalt  }
0x82: {  	_ =	shalt  }
0x83: {  	_ =	shalt  }
0x84: {  	_ =	shalt  }
0x85: {  	_ =	shalt  }
0x86: {  	_ =	shalt  }
0x87: {  	_ =	shalt  }
.Lfunc_end0:
.L_simem_size_0:
called_computation.2_lowered:
.L_overlay_start_0:
0x88: {  	s2 =	sld [smem:$0x3FD9]  }
0x89: {  	s3 =	sld [smem:$0x3FFE];
	_ =	sdelay $0x1  }
0x8a: {  	s1 =	srdreg.scid  }
0x8b: {  	s0 =	sand.u32 $0x1, s1  }
0x8c: {  	s17 =	sshll.u32 s0, $0xA;
	s2 =	sadd.s32 s3, s2  }
0x8d: {  	s2 =	sadd.s32 s2, s17  }
0x8e: {  	[smem:$0x3FC2] =	sst s2  }
0x8f: {  	_ = 	snop  }
0x90: {  	s2 =	sld [smem:$0x3FD0];
	(tm) =	ssettm $0x1  }
0x91: {  	s18 =	sld [smem:$0x3FFB];
	_ =	sdelay $0x3  }
0x92: {  	_ =	strace s18  }
0x93: {  	s3 =	sld [smem:$0x3FFC];
	_ =	sdelay $0x3  }
0x94: {  	_ =	strace s3  }
0x95: {  	s3 =	sld [smem:$0x3FFD];
	_ =	sdelay $0x3  }
0x96: {  	_ =	strace s3  }
0x97: {  	_ =	strace $0x8FFFFFFF  }
0x98: {  	s19 =	sld [smem:$0x3FDB];
	_ =	sdelay $0x1  }
0x99: {  	s4 =	simm.s32 $_scs_section_size  }
0x9a: {  	s5 =	simm.s32 $_size__tile_overlayer_lowered;
	s6 =	simm.s32 $_tile_overlayer_lowered  }
0x9b: {  	s22 =	simm.s32 $0x1BFF;
	s21 =	sshll.u32 s6, $0x1;
	s3 =	sadd.s32 s4, s19  }
0x9c: {  	s7 =	simm.s32 $0x0;
	s20 =	sshll.u32 s5, $0x1;
	s5 =	sadd.s32 s21, s3  }
0x9d: {  	[timem:s7], [sflag:s22] =	dma.local [hbm:s5], s20  }
0x9e: {  	_ =	swait.ge [sflag:s22], s20  }
0x9f: {  	s4 =	ssub.s32 $0x0, s20;
	[sflag:s22] =	ssyncset.done $0x0  }
0xa0: {  	[sflag:s22] =	ssyncadd.s32 s4;
	_ =	sdelay $0x1  }
0xa1: {  	s23 =	simm.s32 $0x1B8B  }
0xa2: {  	_ =	swait.ge [sflag:s23], $0x1  }
0xa3: {  	[sflag:s23] =	ssyncset.done $0x0  }
0xa4: {  	s25 =	simm.s32 $0x1B8E;
	s24 =	sld [smem:$0x3FFE];
	[sflag:s23] =	ssyncadd.s32 $0xFFFFFFFF  }
0xa5: {  	s26 =	simm.s32 $execute0_lowered;
	[smem:$0x3FD2] =	sst s25  }
0xa6: {  	s5 =	sshll.u32 s26, $0x1;
	_ =	strace $0x80000049;
	[dreg:$0x1] =	wrdreg $0xFFFFFFFF  }
0xa7: {  	s28 =	simm.s32 $_size_execute0_lowered;
	s3 =	sadd.s32 s3, s5;
	[dreg:$0x0] =	wrdreg $0x0  }
0xa8: {  	s5 =	sshll.u32 s28, $0x1;
	[dreg:$0x2] =	wrdreg s3  }
0xa9: {  	[dreg:$0x3] =	wrdreg s5  }
0xaa: {  	[dreg:$0x4] =	wrdreg $0xC0  }
0xab: {  	_ =	task [dreg:s7], $0x5FFFF  }
0xac: {  	[dreg:$0x1] =	wrdreg $0xFFFFFFFF  }
0xad: {  	[dreg:$0x0] =	wrdreg $0x60  }
0xae: {  	[dreg:$0x2] =	wrdreg s24  }
0xaf: {  	[dreg:$0x3] =	wrdreg s2  }
0xb0: {  	[dreg:$0x4] =	wrdreg $0x90000  }
0xb1: {  	[dreg:$0x5] =	wrdreg $0xA  }
0xb2: {  	_ =	task.clear_ibuf [dreg:s7], $0x6FFFF;
	_ =	strace $0x90000049  }
0xb3: {  	s29 =	simm.s32 $0xA;
	_ =	strace $0x8000004B  }
0xb4: {  	_ =	swait.ge [sflag:s29], $0x1  }
0xb5: {  	[sflag:s29] =	ssyncadd.s32 $0xFFFFFFFF  }
0xb6: {  	_ =	strace $0x9000004B  }
0xb7: {  	_ =	sfence  }
0xb8: {  	s30 =	sld [smem:$0x0];
	_ =	sdelay $0x2  }
0xb9: {  	s31 =	sshll.u32 s1, $0xD;
	s1 =	sshrl.u32 s1, $0x2  }
0xba: {  	s3 =	sand.u32 $0x4000, s31;
	s1 =	sadd.s32 s1, s30  }
0xbb: {  	s0 =	sor.u32 s3, s0;
	s1 =	sshll.u32 s1, $0x11  }
0xbc: {  	s0 =	sor.u32 s1, s0  }
0xbd: {  	s0 =	sadd.s32 $0x8F2B, s0  }
0xbe: {  	[sflag:s0] =	ssyncadd.remote.s32 $0x1  }
0xbf: {  	_ =	sfence.sel $0xFFFF  }
0xc0: {  	[dreg:$0x0] =	wrdreg $0xFFFFFFFF;
	(pc) =	sbr.abs _section_cstart, $3  }
0xc1: {  	[dreg:$0x1] =	wrdreg $0xFFFFFFFF  }
0xc2: {  	_ =	task.clear_ibuf [dreg:s7], $0x2FFFF;
	_ =	strace $0x9FFFFFFF  }
0xc3: {  	(tm) =	ssettm $0x7FFFFFFF  }
tec
execute0_lowered:
.L_overlay_start_1:
0x0: {  	(tag) =	ssettag $0x1  }
0x1: {  	s1 =	srdreg.scid;
	s6 =	rddreg [dreg:$0x0]  }
0x2: {  	s0 =	stileid.u32;
	s7 =	rddreg [dreg:$0x1]  }
0x3: {  	s2 =	rddreg [dreg:$0x2];
	s3 =	simm.s32 $0x0;
	s15 =	simm.s32 $0x2  }
0x4: {  	s16 =	simm.s32 $0x2800;
	s17 =	simm.s32 $0x7000;
	s18 =	simm.s32 $0x80  }
0x5: {  	s19 =	simm.s32 $0x5000;
	s20 =	simm.s32 $0x1;
	s23 =	simm.s32 $0x0  }
0x6: {  	s5 =	sand.u32 $0x1, s1;
	s30 =	sshll.u32 s0, $0x1;
	s10 =	smul.u32 $0xA000, s0  }
0x7: {  	[smem:$0x7FF] =	sst s3;
	s4 =	sadd.s32 $0xBE00, s6;
	s14 =	smul.u32 $0x28000, s0  }
0x8: {  	s21 =	sshll.u32 s0, $0x6;
	s1 =	sor.u32 s5, s30;
	s9 =	smul.u32 $0xA0000, s5  }
0x9: {  	s12 =	ssub.s32 $0x2, s5;
	s5 =	sadd.s32 $0x1FE00, s6;
	s21 =	sor.u32 $0x1C02, s21  }
0xa: {  	s8 =	smul.u32 $0x500, s1;
	s1 =	rddreg [dreg:$0x3];
	_ =	strace $0x8000004A  }
0xb: {  	s13 =	sshrl.u32 s12, $0x1;
	s31 =	sshrl.u32 s14, $0x2;
	s22 =	sadd.s32 s10, s2  }
0xc: {  	s9 =	sadd.s32 s10, s9;
	s12 =	ssub.s32 s12, s13;
	s22 =	sshrl.u32 s22, $0x3  }
0xd: {  	s11 =	sadd.s32 s8, s6;
	s9 =	sshrl.u32 s9, $0x3;
	s7 =	sadd.s32 s7, s8  }
0xe: {  	s8 =	sadd.s32 s31, s2;
	s10 =	smax.u32 s12, $0x1;
	s9 =	sadd.s32 s9, s6  }
0xf: {  	s6 =	sadd.s32 $0x1E00, s11;
	s11 =	sadd.s32 $0x2000, s8;
	s12 =	sadd.s32 $0x4000, s8  }
0x10: {  	s13 =	sadd.s32 $0x6000, s8;
	s14 =	sadd.s32 $0x8000, s8;
	s9 =	sadd.s32 $0x20200, s9  }
.LBB2_1:
0x11: {  	[tilespmem:s3], [sflag:$0x2] =	stream.linear.gather [hbm4b:s6+s3], $0x2800, $0x38;
	[tilespmem:$0x13000] =	vst v63  }
0x12: {  	_ =	swait.ge [sflag:s15], $0x2800  }
0x13: {  	[sflag:s15] =	ssyncset.done $0x0  }
0x14: {  	[sflag:s15] =	ssyncadd.s32 $0xFFFFD800  }
0x15: {  	[tilespmem:s16], [sflag:$0x2] =	stream.linear.gather [hbm4b:s7+s3], $0x2800, $0x38;
	[tilespmem:$0x13000] =	vst v63  }
0x16: {  	_ =	swait.ge [sflag:s15], $0x2800  }
0x17: {  	[sflag:s15] =	ssyncset.done $0x0  }
0x18: {  	[sflag:s15] =	ssyncadd.s32 $0xFFFFD800  }
0x19: {  	[tilespmem:s17], [sflag:$0x2] =	stream.linear.gather [hbm4b:s5+s3], $0x2000, $0x38;
	[tilespmem:$0x13000] =	vst v63  }
0x1a: {  	_ =	swait.ge [sflag:s15], $0x2000  }
0x1b: {  	[sflag:s15] =	ssyncset.done $0x0  }
0x1c: {  	[sflag:s15] =	ssyncadd.s32 $0xFFFFE000  }
0x1d: {  	[spmem:s8] =	stream.linear.scatter [tilespmem:s17], [sflag:$0x2], $0x2000, $0x38;
	[tilespmem:$0x13000] =	vst v63  }
0x1e: {  	_ =	swait.ge [sflag:s15], $0x2000  }
0x1f: {  	[sflag:s15] =	ssyncset.done $0x0  }
0x20: {  	[sflag:s15] =	ssyncadd.s32 $0xFFFFE000  }
0x21: {  	[spmem:s11] =	stream.linear.scatter [tilespmem:s17], [sflag:$0x2], $0x2000, $0x38;
	[tilespmem:$0x13000] =	vst v63  }
0x22: {  	_ =	swait.ge [sflag:s15], $0x2000  }
0x23: {  	[sflag:s15] =	ssyncset.done $0x0  }
0x24: {  	[sflag:s15] =	ssyncadd.s32 $0xFFFFE000  }
0x25: {  	[spmem:s12] =	stream.linear.scatter [tilespmem:s17], [sflag:$0x2], $0x2000, $0x38;
	[tilespmem:$0x13000] =	vst v63  }
0x26: {  	_ =	swait.ge [sflag:s15], $0x2000  }
0x27: {  	[sflag:s15] =	ssyncset.done $0x0  }
0x28: {  	[sflag:s15] =	ssyncadd.s32 $0xFFFFE000  }
0x29: {  	[spmem:s13] =	stream.linear.scatter [tilespmem:s17], [sflag:$0x2], $0x2000, $0x38;
	[tilespmem:$0x13000] =	vst v63  }
0x2a: {  	_ =	swait.ge [sflag:s15], $0x2000  }
0x2b: {  	[sflag:s15] =	ssyncset.done $0x0  }
0x2c: {  	[sflag:s15] =	ssyncadd.s32 $0xFFFFE000  }
0x2d: {  	[spmem:s14] =	stream.linear.scatter [tilespmem:s17], [sflag:$0x2], $0x2000, $0x38;
	[tilespmem:$0x13000] =	vst v63  }
0x2e: {  	_ =	swait.ge [sflag:s15], $0x2000  }
0x2f: {  	[sflag:s15] =	ssyncset.done $0x0  }
0x30: {  	[sflag:s15] =	ssyncadd.s32 $0xFFFFE000  }
0x31: {  	s24 =	simm.s32 $0x0;
	[bflag:$0x0] =	sbarrier.arrive $0xFFFF  }
0x32: {  	[tilespmem:s19], [sflag:$0x1] =	stream.indirect.gather [hbm4b:s4+s18], $0x40, s24, s18, $0xb8;
	[tilespmem:$0x13000] =	vst v63  }
0x33: {  	_ =	swait.ge [sflag:s20], $0x2000  }
0x34: {  	[sflag:s20] =	ssyncset.done $0x0  }
0x35: {  	s31 =	simm.s32 $0x2800;
	[sflag:s20] =	ssyncadd.s32 $0xFFFFE000  }
0x36: {  	[spmem:s2] =	stream.indirect.scatter.add.f32 [tilespmem:s19], [sflag:$0x2], $0x40, s31, s18, $0xb8;
	[tilespmem:$0x13000] =	vst v63  }
0x37: {  	_ =	swait.ge [sflag:s15], $0x2000  }
0x38: {  	s25 =	simm.s32 $0x400;
	s24 =	simm.s32 $0x200;
	[sflag:s15] =	ssyncset.done $0x0  }
.LBB2_2:
0x39: {  	s26 =	sshra.s32 s24, $0x2  }
0x3a: {  	[sflag:s15] =	ssyncadd.s32 $0xFFFFE000;
	s24 =	smov.u32 s25;
	s28 =	sadd.s32 $0x200, s25  }
0x3b: {  	[tilespmem:s19], [sflag:$0x1] =	stream.indirect.gather [hbm4b:s4+s18], $0x40, s26, s18, $0xb8;
	[tilespmem:$0x13000] =	vst v63  }
0x3c: {  	p0 =	sne.s32 s25, $0x9E00;
	_ =	swait.ge [sflag:s20], $0x2000  }
.Ltmp0:
0x3d: {  	[sflag:s20] =	ssyncset.done $0x0;
	(pc) =	sbr.rel @p0 .LBB2_2-.Ltmp0, $4  }
0x3e: {  	s25 =	sadd.s32 $0x2800, s26;
	[sflag:s20] =	ssyncadd.s32 $0xFFFFE000  }
0x3f: {  	[spmem:s2] =	stream.indirect.scatter.add.f32 [tilespmem:s19], [sflag:$0x2], $0x40, s25, s18, $0xb8;
	[tilespmem:$0x13000] =	vst v63  }
0x40: {  	_ =	swait.ge [sflag:s15], $0x2000  }
0x41: {  	s25 =	smov.u32 s28;
	[sflag:s15] =	ssyncset.done $0x0  }
0x42: {  	s24 =	sshra.s32 s24, $0x2;
	[sflag:s15] =	ssyncadd.s32 $0xFFFFE000  }
0x43: {  	[tilespmem:s19], [sflag:$0x1] =	stream.indirect.gather [hbm4b:s4+s18], $0x40, s24, s18, $0xb8;
	[tilespmem:$0x13000] =	vst v63  }
0x44: {  	_ =	swait.ge [sflag:s20], $0x2000  }
0x45: {  	[sflag:s20] =	ssyncset.done $0x0  }
0x46: {  	s24 =	sadd.s32 $0x2800, s24;
	[sflag:s20] =	ssyncadd.s32 $0xFFFFE000  }
0x47: {  	[spmem:s2] =	stream.indirect.scatter.add.f32 [tilespmem:s19], [sflag:$0x2], $0x40, s24, s18, $0xb8;
	[tilespmem:$0x13000] =	vst v63  }
0x48: {  	_ =	swait.ge [sflag:s15], $0x2000  }
0x49: {  	s23 =	sadd.s32 $0x1, s23;
	[sflag:s15] =	ssyncset.done $0x0  }
0x4a: {  	p0 =	sne.s32 s23, s10;
	[sflag:s15] =	ssyncadd.s32 $0xFFFFE000  }
.Ltmp1:
0x4b: {  	[bflag:$0x0] =	sbarrier.arrive $0xFFFF;
	(pc) =	sbr.rel @p0 .LBB2_1-.Ltmp1, $4  }
0x4c: {  	[hbm:s9], [sflag:s21] =	dma.local [spmem:s22], $0x1400  }
0x4d: {  	_ =	swait.ge [sflag:s15], $0x1400  }
0x4e: {  	[sflag:s15] =	ssyncset.done $0x0  }
0x4f: {  	[sflag:s15] =	ssyncadd.s32 $0xFFFFEC00  }
0x50: {  	_ =	sfence.sel $0x180000  }
0x51: {  	[bflag:$0x0] =	sbarrier.arrive $0xFFFF  }
0x52: {  	p0 =	sne.s32 s0, $0x0;
	_ =	strace $0x9000004A  }
0x53: {  	s0 =	sadd.s32 @!p0 $0x100000, s1;
	[bflag:$0x2] =	sbarrier.arrive $0xFFFF  }
0x54: {  	[sflag:s0] =	ssyncadd.tile.s32 @!p0 $0x1;
	_ =	shalt  }
.Lfunc_end2:
_tile_overlayer_lowered:
.L_overlay_start_2:
0x55: {  	(tag) =	ssettag $0x2  }
0x56: {  	s0 =	rddreg [dreg:$0x0];
	s2 =	stileid.u32  }
0x57: {  	s1 =	rddreg [dreg:$0x1];
	p0 =	sne.s32 s2, $0x0  }
0x58: {  	s3 =	rddreg [dreg:$0x2];
	[bflag:$0x3] =	sbarrier.arrive $0xFFFF;
	s2 =	simm.s32 @!p0 $0x1C02  }
0x59: {  	[timem:s3], [sflag:s2] =	dma.local @!p0 [hbm:s0], s1  }
0x5a: {  	s0 =	simm.s32 @!p0 $0x2  }
0x5b: {  	_ =	swait.ge @!p0 [sflag:s0], s1  }
0x5c: {  	s1 =	ssub.s32 @!p0 $0x0, s1;
	[sflag:s0] =	ssyncset.done @!p0 $0x0  }
0x5d: {  	[sflag:s0] =	ssyncadd.s32 @!p0 s1  }
0x5e: {  	[bflag:$0x3] =	sbarrier.arrive $0xFFFF  }
0x5f: {  	_ =	shalt  }

// kernel: kernel.18.cloned.1.call-start
scs
__scs_entry_jumppad:
0x0: {  	(pc) =	sbr.rel $0x88, $3  }
0x1: {  	(tag) =	ssettag $0x0;
	lr =	simm.s32 $0x1  }
0x2: {  	[smem:$0x3F9B] =	sst lr;
	_ =	strace $0xD0000000  }
0x3: {  	_ = 	snop  }
0x4: {  	_ = 	snop  }
0x5: {  	_ = 	snop  }
0x6: {  	_ = 	snop  }
0x7: {  	_ = 	snop  }
__scs_overlays_trampoline_lowered:
0x8: {  	[smem:$0x3FAA] =	sst s0  }
0x9: {  	[smem:$0x3FAB] =	sst s1  }
0xa: {  	[smem:$0x3FAC] =	sst s2  }
0xb: {  	[smem:$0x3FAD] =	sst s3  }
0xc: {  	[smem:$0x3FAE] =	sst s4  }
0xd: {  	[smem:$0x3FAF] =	sst s5  }
0xe: {  	[smem:$0x3FB0] =	sst s6  }
0xf: {  	[smem:$0x3FB1] =	sst s7  }
0x10: {  	[smem:$0x3FB2] =	sst s8  }
0x11: {  	[smem:$0x3FB3] =	sst s9;
	s0 =	simm.s32 @!p0 $0x0  }
0x12: {  	s1 =	sld [smem:$0x3F99];
	s0 =	simm.s32 @p0 $0x1  }
0x13: {  	[smem:$0x3FB4] =	sst s0;
	s0 =	simm.s32 @!p1 $0x0  }
0x14: {  	s2 =	sld [smem:$0x3F98];
	s0 =	simm.s32 @p1 $0x1  }
0x15: {  	[smem:$0x3FB5] =	sst s0;
	s0 =	simm.s32 @!p2 $0x0  }
0x16: {  	s3 =	sld [smem:$0x3FDB];
	s0 =	simm.s32 @p2 $0x1  }
0x17: {  	s4 =	simm.s32 $0x1BF5;
	[smem:$0x3FB7] =	sst s0  }
0x18: {  	s0 =	sld [smem:$0x3F9A];
	_ =	swait.ge [sflag:s4], $0x0  }
0x19: {  	s7 =	sld [smem:$0x3F9B]  }
0x1a: {  	s8 =	sadd.s32 $0xFFFFE003, lr  }
0x1b: {  	s9 =	sadd.s32 $0xFFFFFEF7, lr;
	s5 =	simm.s32 $0xFFFFFFFF;
	p2 =	slt.u32 s8, $0xFFFFF086  }
0x1c: {  	p1 =	slt.u32 s9, $0xF7A;
	s5 =	simm.s32 @!p2 $0x0  }
0x1d: {  	s5 =	simm.s32 @p1 $0x1;
	p0 =	seq.s32 s7, s2  }
0x1e: {  	s7 =	smul.u32 @!p0 $0xF7A, s2;
	p2 =	seq.s32 @!p0 s5, $0x0  }
0x1f: {  	s9 =	smul.u32 $0xF7A, s1;
	s8 =	simm.s32 @!p0 $0x1BF5;
	p2 =	por !p2, p0  }
0x20: {  	[sflag:s8] =	ssyncset.s32 @!p0 $0xFFFFF086;
	s6 =	sadd.s32 @!p0 s3, s7;
	s7 =	simm.s32 @!p0 $0x108  }
0x21: {  	s3 =	sadd.s32 s3, s9;
	s6 =	sadd.s32 @!p0 $0x88, s6;
	s7 =	simm.s32 @p2 $0x1082  }
0x22: {  	[simem:s7], [sflag:s8] =	dma.local @!p0 [hbm:s6], $0xF7A  }
0x23: {  	s9 =	sor.u32 $0xD0000000, s2;
	s6 =	simm.s32 $0x108;
	_ =	swait.ge @!p0 [sflag:s8], $0x0  }
0x24: {  	s3 =	sadd.s32 $0x88, s3;
	s6 =	simm.s32 @!p1 $0x1082;
	[sflag:s4] =	ssyncset.s32 $0xFFFFF086  }
0x25: {  	[simem:s6], [sflag:s4] =	dma.local [hbm:s3], $0xF7A  }
0x26: {  	[smem:$0x3F9B] =	sst s1;
	(tag) =	ssettag s2;
	_ =	strace s9  }
0x27: {  	s1 =	sld [smem:$0x3FAB]  }
0x28: {  	s2 =	sld [smem:$0x3FAC]  }
0x29: {  	s4 =	sld [smem:$0x3FAE]  }
0x2a: {  	p0 =	seq.s32 s5, $0x0;
	s5 =	sld [smem:$0x3FAF]  }
0x2b: {  	s6 =	sld [smem:$0x3FB0]  }
0x2c: {  	s7 =	sld [smem:$0x3FB1]  }
0x2d: {  	s3 =	simm.s32 $0x108;
	s8 =	sld [smem:$0x3FB2]  }
0x2e: {  	s3 =	simm.s32 @!p0 $0x1082;
	s9 =	sld [smem:$0x3FB3]  }
0x2f: {  	lr =	sadd.s32 s0, s3;
	s0 =	sld [smem:$0x3FAA]  }
0x30: {  	s3 =	sld [smem:$0x3FAD]  }
0x31: {  	[smem:$0x3FB6] =	sst s10  }
0x32: {  	s10 =	sld [smem:$0x3FB4];
	_ =	sdelay $0x3  }
0x33: {  	p0 =	seq.s32 s10, $0x1;
	s10 =	sld [smem:$0x3FB6];
	_ =	sdelay $0x3  }
0x34: {  	[smem:$0x3FB6] =	sst s10  }
0x35: {  	s10 =	sld [smem:$0x3FB5];
	_ =	sdelay $0x3  }
0x36: {  	p1 =	seq.s32 s10, $0x1;
	s10 =	sld [smem:$0x3FB6];
	_ =	sdelay $0x3  }
0x37: {  	[smem:$0x3FB6] =	sst s10  }
0x38: {  	s10 =	sld [smem:$0x3FB7]  }
0x39: {  	_ = 	snop;
	(pc) =	sbr.ind lr, $3  }
0x3a: {  	_ = 	snop  }
0x3b: {  	_ = 	snop  }
0x3c: {  	p2 =	seq.s32 s10, $0x1;
	s10 =	sld [smem:$0x3FB6]  }
0x3d: {  	_ =	shalt  }
0x3e: {  	_ =	shalt  }
0x3f: {  	_ =	shalt  }
0x40: {  	_ =	shalt  }
0x41: {  	_ =	shalt  }
0x42: {  	_ =	shalt  }
0x43: {  	_ =	shalt  }
0x44: {  	_ =	shalt  }
0x45: {  	_ =	shalt  }
0x46: {  	_ =	shalt  }
0x47: {  	_ =	shalt  }
0x48: {  	_ =	shalt  }
0x49: {  	_ =	shalt  }
0x4a: {  	_ =	shalt  }
0x4b: {  	_ =	shalt  }
0x4c: {  	_ =	shalt  }
0x4d: {  	_ =	shalt  }
0x4e: {  	_ =	shalt  }
0x4f: {  	_ =	shalt  }
0x50: {  	_ =	shalt  }
0x51: {  	_ =	shalt  }
0x52: {  	_ =	shalt  }
0x53: {  	_ =	shalt  }
0x54: {  	_ =	shalt  }
0x55: {  	_ =	shalt  }
0x56: {  	_ =	shalt  }
0x57: {  	_ =	shalt  }
0x58: {  	_ =	shalt  }
0x59: {  	_ =	shalt  }
0x5a: {  	_ =	shalt  }
0x5b: {  	_ =	shalt  }
0x5c: {  	_ =	shalt  }
0x5d: {  	_ =	shalt  }
0x5e: {  	_ =	shalt  }
0x5f: {  	_ =	shalt  }
0x60: {  	_ =	shalt  }
0x61: {  	_ =	shalt  }
0x62: {  	_ =	shalt  }
0x63: {  	_ =	shalt  }
0x64: {  	_ =	shalt  }
0x65: {  	_ =	shalt  }
0x66: {  	_ =	shalt  }
0x67: {  	_ =	shalt  }
0x68: {  	_ =	shalt  }
0x69: {  	_ =	shalt  }
0x6a: {  	_ =	shalt  }
0x6b: {  	_ =	shalt  }
0x6c: {  	_ =	shalt  }
0x6d: {  	_ =	shalt  }
0x6e: {  	_ =	shalt  }
0x6f: {  	_ =	shalt  }
0x70: {  	_ =	shalt  }
0x71: {  	_ =	shalt  }
0x72: {  	_ =	shalt  }
0x73: {  	_ =	shalt  }
0x74: {  	_ =	shalt  }
0x75: {  	_ =	shalt  }
0x76: {  	_ =	shalt  }
0x77: {  	_ =	shalt  }
0x78: {  	_ =	shalt  }
0x79: {  	_ =	shalt  }
0x7a: {  	_ =	shalt  }
0x7b: {  	_ =	shalt  }
0x7c: {  	_ =	shalt  }
0x7d: {  	_ =	shalt  }
0x7e: {  	_ =	shalt  }
0x7f: {  	_ =	shalt  }
0x80: {  	_ =	shalt  }
0x81: {  	_ =	shalt  }
0x82: {  	_ =	shalt  }
0x83: {  	_ =	shalt  }
0x84: {  	_ =	shalt  }
0x85: {  	_ =	shalt  }
0x86: {  	_ =	shalt  }
0x87: {  	_ =	shalt  }
.Lfunc_end0:
.L_simem_size_0:
called_computation.3_lowered:
.L_overlay_start_0:
0x88: {  	s2 =	sld [smem:$0x3FD9]  }
0x89: {  	s3 =	sld [smem:$0x3FFE];
	_ =	sdelay $0x1  }
0x8a: {  	s1 =	srdreg.scid  }
0x8b: {  	s0 =	sand.u32 $0x1, s1  }
0x8c: {  	s17 =	sshll.u32 s0, $0xA;
	s2 =	sadd.s32 s3, s2  }
0x8d: {  	s2 =	sadd.s32 s2, s17  }
0x8e: {  	[smem:$0x3FC2] =	sst s2  }
0x8f: {  	_ = 	snop  }
0x90: {  	s2 =	sld [smem:$0x3FD0];
	(tm) =	ssettm $0x1  }
0x91: {  	s18 =	sld [smem:$0x3FFB];
	_ =	sdelay $0x3  }
0x92: {  	_ =	strace s18  }
0x93: {  	s3 =	sld [smem:$0x3FFC];
	_ =	sdelay $0x3  }
0x94: {  	_ =	strace s3  }
0x95: {  	s3 =	sld [smem:$0x3FFD];
	_ =	sdelay $0x3  }
0x96: {  	_ =	strace s3  }
0x97: {  	_ =	strace $0x8FFFFFFF  }
0x98: {  	s19 =	sld [smem:$0x3FDB];
	_ =	sdelay $0x1  }
0x99: {  	s4 =	simm.s32 $_scs_section_size  }
0x9a: {  	s5 =	simm.s32 $_size__tile_overlayer_lowered;
	s6 =	simm.s32 $_tile_overlayer_lowered  }
0x9b: {  	s22 =	simm.s32 $0x1BFF;
	s21 =	sshll.u32 s6, $0x1;
	s3 =	sadd.s32 s4, s19  }
0x9c: {  	s7 =	simm.s32 $0x0;
	s20 =	sshll.u32 s5, $0x1;
	s5 =	sadd.s32 s21, s3  }
0x9d: {  	[timem:s7], [sflag:s22] =	dma.local [hbm:s5], s20  }
0x9e: {  	_ =	swait.ge [sflag:s22], s20  }
0x9f: {  	s4 =	ssub.s32 $0x0, s20;
	[sflag:s22] =	ssyncset.done $0x0  }
0xa0: {  	[sflag:s22] =	ssyncadd.s32 s4;
	_ =	sdelay $0x1  }
0xa1: {  	s23 =	simm.s32 $0x1B8B  }
0xa2: {  	_ =	swait.ge [sflag:s23], $0x1  }
0xa3: {  	[sflag:s23] =	ssyncset.done $0x0  }
0xa4: {  	s25 =	simm.s32 $0x1B8E;
	s24 =	sld [smem:$0x3FFE];
	[sflag:s23] =	ssyncadd.s32 $0xFFFFFFFF  }
0xa5: {  	s26 =	simm.s32 $execute0_lowered;
	[smem:$0x3FD2] =	sst s25  }
0xa6: {  	s5 =	sshll.u32 s26, $0x1;
	_ =	strace $0x8000004F;
	[dreg:$0x1] =	wrdreg $0xFFFFFFFF  }
0xa7: {  	s28 =	simm.s32 $_size_execute0_lowered;
	s3 =	sadd.s32 s3, s5;
	[dreg:$0x0] =	wrdreg $0x0  }
0xa8: {  	s5 =	sshll.u32 s28, $0x1;
	[dreg:$0x2] =	wrdreg s3  }
0xa9: {  	[dreg:$0x3] =	wrdreg s5  }
0xaa: {  	[dreg:$0x4] =	wrdreg $0xC0  }
0xab: {  	_ =	task [dreg:s7], $0x5FFFF  }
0xac: {  	[dreg:$0x1] =	wrdreg $0xFFFFFFFF  }
0xad: {  	[dreg:$0x0] =	wrdreg $0x60  }
0xae: {  	[dreg:$0x2] =	wrdreg s24  }
0xaf: {  	[dreg:$0x3] =	wrdreg s2  }
0xb0: {  	[dreg:$0x4] =	wrdreg $0x90000  }
0xb1: {  	[dreg:$0x5] =	wrdreg $0x9  }
0xb2: {  	_ =	task.clear_ibuf [dreg:s7], $0x6FFFF;
	_ =	strace $0x9000004F  }
0xb3: {  	s29 =	simm.s32 $0x9;
	_ =	strace $0x80000051  }
0xb4: {  	_ =	swait.ge [sflag:s29], $0x1  }
0xb5: {  	[sflag:s29] =	ssyncadd.s32 $0xFFFFFFFF  }
0xb6: {  	_ =	strace $0x90000051  }
0xb7: {  	_ =	sfence  }
0xb8: {  	s30 =	sld [smem:$0x0];
	_ =	sdelay $0x2  }
0xb9: {  	s31 =	sshll.u32 s1, $0xD;
	s1 =	sshrl.u32 s1, $0x2  }
0xba: {  	s3 =	sand.u32 $0x4000, s31;
	s1 =	sadd.s32 s1, s30  }
0xbb: {  	s0 =	sor.u32 s3, s0;
	s1 =	sshll.u32 s1, $0x11  }
0xbc: {  	s0 =	sor.u32 s1, s0  }
0xbd: {  	s0 =	sadd.s32 $0x8F2B, s0  }
0xbe: {  	[sflag:s0] =	ssyncadd.remote.s32 $0x1  }
0xbf: {  	_ =	sfence.sel $0xFFFF  }
0xc0: {  	[dreg:$0x0] =	wrdreg $0xFFFFFFFF;
	(pc) =	sbr.abs _section_cstart, $3  }
0xc1: {  	[dreg:$0x1] =	wrdreg $0xFFFFFFFF  }
0xc2: {  	_ =	task.clear_ibuf [dreg:s7], $0x2FFFF;
	_ =	strace $0x9FFFFFFF  }
0xc3: {  	(tm) =	ssettm $0x7FFFFFFF  }
tec
execute0_lowered:
.L_overlay_start_1:
0x0: {  	(tag) =	ssettag $0x1  }
0x1: {  	s1 =	srdreg.scid;
	s6 =	rddreg [dreg:$0x0]  }
0x2: {  	s0 =	stileid.u32;
	s7 =	rddreg [dreg:$0x1]  }
0x3: {  	s2 =	rddreg [dreg:$0x2];
	s3 =	simm.s32 $0x0;
	s15 =	simm.s32 $0x2  }
0x4: {  	s16 =	simm.s32 $0x2800;
	s17 =	simm.s32 $0x7000;
	s18 =	simm.s32 $0x80  }
0x5: {  	s19 =	simm.s32 $0x5000;
	s20 =	simm.s32 $0x1;
	s23 =	simm.s32 $0x0  }
0x6: {  	s5 =	sand.u32 $0x1, s1;
	s30 =	sshll.u32 s0, $0x1;
	s10 =	smul.u32 $0xA000, s0  }
0x7: {  	[smem:$0x7FF] =	sst s3;
	s4 =	sadd.s32 $0xBE00, s6;
	s14 =	smul.u32 $0x28000, s0  }
0x8: {  	s21 =	sshll.u32 s0, $0x6;
	s1 =	sor.u32 s5, s30;
	s9 =	smul.u32 $0xA0000, s5  }
0x9: {  	s12 =	ssub.s32 $0x2, s5;
	s5 =	sadd.s32 $0x1FE00, s6;
	s21 =	sor.u32 $0x1C02, s21  }
0xa: {  	s8 =	smul.u32 $0x500, s1;
	s1 =	rddreg [dreg:$0x3];
	_ =	strace $0x80000050  }
0xb: {  	s13 =	sshrl.u32 s12, $0x1;
	s31 =	sshrl.u32 s14, $0x2;
	s22 =	sadd.s32 s10, s2  }
0xc: {  	s9 =	sadd.s32 s10, s9;
	s12 =	ssub.s32 s12, s13;
	s22 =	sshrl.u32 s22, $0x3  }
0xd: {  	s11 =	sadd.s32 s8, s6;
	s9 =	sshrl.u32 s9, $0x3;
	s7 =	sadd.s32 s7, s8  }
0xe: {  	s8 =	sadd.s32 s31, s2;
	s10 =	smax.u32 s12, $0x1;
	s9 =	sadd.s32 s9, s6  }
0xf: {  	s6 =	sadd.s32 $0x1E00, s11;
	s11 =	sadd.s32 $0x2000, s8;
	s12 =	sadd.s32 $0x4000, s8  }
0x10: {  	s13 =	sadd.s32 $0x6000, s8;
	s14 =	sadd.s32 $0x8000, s8;
	s9 =	sadd.s32 $0x20200, s9  }
.LBB2_1:
0x11: {  	[tilespmem:s3], [sflag:$0x2] =	stream.linear.gather [hbm4b:s6+s3], $0x2800, $0x38;
	[tilespmem:$0x13000] =	vst v63  }
0x12: {  	_ =	swait.ge [sflag:s15], $0x2800  }
0x13: {  	[sflag:s15] =	ssyncset.done $0x0  }
0x14: {  	[sflag:s15] =	ssyncadd.s32 $0xFFFFD800  }
0x15: {  	[tilespmem:s16], [sflag:$0x2] =	stream.linear.gather [hbm4b:s7+s3], $0x2800, $0x38;
	[tilespmem:$0x13000] =	vst v63  }
0x16: {  	_ =	swait.ge [sflag:s15], $0x2800  }
0x17: {  	[sflag:s15] =	ssyncset.done $0x0  }
0x18: {  	[sflag:s15] =	ssyncadd.s32 $0xFFFFD800  }
0x19: {  	[tilespmem:s17], [sflag:$0x2] =	stream.linear.gather [hbm4b:s5+s3], $0x2000, $0x38;
	[tilespmem:$0x13000] =	vst v63  }
0x1a: {  	_ =	swait.ge [sflag:s15], $0x2000  }
0x1b: {  	[sflag:s15] =	ssyncset.done $0x0  }
0x1c: {  	[sflag:s15] =	ssyncadd.s32 $0xFFFFE000  }
0x1d: {  	[spmem:s8] =	stream.linear.scatter [tilespmem:s17], [sflag:$0x2], $0x2000, $0x38;
	[tilespmem:$0x13000] =	vst v63  }
0x1e: {  	_ =	swait.ge [sflag:s15], $0x2000  }
0x1f: {  	[sflag:s15] =	ssyncset.done $0x0  }
0x20: {  	[sflag:s15] =	ssyncadd.s32 $0xFFFFE000  }
0x21: {  	[spmem:s11] =	stream.linear.scatter [tilespmem:s17], [sflag:$0x2], $0x2000, $0x38;
	[tilespmem:$0x13000] =	vst v63  }
0x22: {  	_ =	swait.ge [sflag:s15], $0x2000  }
0x23: {  	[sflag:s15] =	ssyncset.done $0x0  }
0x24: {  	[sflag:s15] =	ssyncadd.s32 $0xFFFFE000  }
0x25: {  	[spmem:s12] =	stream.linear.scatter [tilespmem:s17], [sflag:$0x2], $0x2000, $0x38;
	[tilespmem:$0x13000] =	vst v63  }
0x26: {  	_ =	swait.ge [sflag:s15], $0x2000  }
0x27: {  	[sflag:s15] =	ssyncset.done $0x0  }
0x28: {  	[sflag:s15] =	ssyncadd.s32 $0xFFFFE000  }
0x29: {  	[spmem:s13] =	stream.linear.scatter [tilespmem:s17], [sflag:$0x2], $0x2000, $0x38;
	[tilespmem:$0x13000] =	vst v63  }
0x2a: {  	_ =	swait.ge [sflag:s15], $0x2000  }
0x2b: {  	[sflag:s15] =	ssyncset.done $0x0  }
0x2c: {  	[sflag:s15] =	ssyncadd.s32 $0xFFFFE000  }
0x2d: {  	[spmem:s14] =	stream.linear.scatter [tilespmem:s17], [sflag:$0x2], $0x2000, $0x38;
	[tilespmem:$0x13000] =	vst v63  }
0x2e: {  	_ =	swait.ge [sflag:s15], $0x2000  }
0x2f: {  	[sflag:s15] =	ssyncset.done $0x0  }
0x30: {  	[sflag:s15] =	ssyncadd.s32 $0xFFFFE000  }
0x31: {  	s24 =	simm.s32 $0x0;
	[bflag:$0x0] =	sbarrier.arrive $0xFFFF  }
0x32: {  	[tilespmem:s19], [sflag:$0x1] =	stream.indirect.gather [hbm4b:s4+s18], $0x40, s24, s18, $0xb8;
	[tilespmem:$0x13000] =	vst v63  }
0x33: {  	_ =	swait.ge [sflag:s20], $0x2000  }
0x34: {  	[sflag:s20] =	ssyncset.done $0x0  }
0x35: {  	s31 =	simm.s32 $0x2800;
	[sflag:s20] =	ssyncadd.s32 $0xFFFFE000  }
0x36: {  	[spmem:s2] =	stream.indirect.scatter.add.f32 [tilespmem:s19], [sflag:$0x2], $0x40, s31, s18, $0xb8;
	[tilespmem:$0x13000] =	vst v63  }
0x37: {  	_ =	swait.ge [sflag:s15], $0x2000  }
0x38: {  	s25 =	simm.s32 $0x400;
	s24 =	simm.s32 $0x200;
	[sflag:s15] =	ssyncset.done $0x0  }
.LBB2_2:
0x39: {  	s26 =	sshra.s32 s24, $0x2  }
0x3a: {  	[sflag:s15] =	ssyncadd.s32 $0xFFFFE000;
	s24 =	smov.u32 s25;
	s28 =	sadd.s32 $0x200, s25  }
0x3b: {  	[tilespmem:s19], [sflag:$0x1] =	stream.indirect.gather [hbm4b:s4+s18], $0x40, s26, s18, $0xb8;
	[tilespmem:$0x13000] =	vst v63  }
0x3c: {  	p0 =	sne.s32 s25, $0x9E00;
	_ =	swait.ge [sflag:s20], $0x2000  }
.Ltmp0:
0x3d: {  	[sflag:s20] =	ssyncset.done $0x0;
	(pc) =	sbr.rel @p0 .LBB2_2-.Ltmp0, $4  }
0x3e: {  	s25 =	sadd.s32 $0x2800, s26;
	[sflag:s20] =	ssyncadd.s32 $0xFFFFE000  }
0x3f: {  	[spmem:s2] =	stream.indirect.scatter.add.f32 [tilespmem:s19], [sflag:$0x2], $0x40, s25, s18, $0xb8;
	[tilespmem:$0x13000] =	vst v63  }
0x40: {  	_ =	swait.ge [sflag:s15], $0x2000  }
0x41: {  	s25 =	smov.u32 s28;
	[sflag:s15] =	ssyncset.done $0x0  }
0x42: {  	s24 =	sshra.s32 s24, $0x2;
	[sflag:s15] =	ssyncadd.s32 $0xFFFFE000  }
0x43: {  	[tilespmem:s19], [sflag:$0x1] =	stream.indirect.gather [hbm4b:s4+s18], $0x40, s24, s18, $0xb8;
	[tilespmem:$0x13000] =	vst v63  }
0x44: {  	_ =	swait.ge [sflag:s20], $0x2000  }
0x45: {  	[sflag:s20] =	ssyncset.done $0x0  }
0x46: {  	s24 =	sadd.s32 $0x2800, s24;
	[sflag:s20] =	ssyncadd.s32 $0xFFFFE000  }
0x47: {  	[spmem:s2] =	stream.indirect.scatter.add.f32 [tilespmem:s19], [sflag:$0x2], $0x40, s24, s18, $0xb8;
	[tilespmem:$0x13000] =	vst v63  }
0x48: {  	_ =	swait.ge [sflag:s15], $0x2000  }
0x49: {  	s23 =	sadd.s32 $0x1, s23;
	[sflag:s15] =	ssyncset.done $0x0  }
0x4a: {  	p0 =	sne.s32 s23, s10;
	[sflag:s15] =	ssyncadd.s32 $0xFFFFE000  }
.Ltmp1:
0x4b: {  	[bflag:$0x0] =	sbarrier.arrive $0xFFFF;
	(pc) =	sbr.rel @p0 .LBB2_1-.Ltmp1, $4  }
0x4c: {  	[hbm:s9], [sflag:s21] =	dma.local [spmem:s22], $0x1400  }
0x4d: {  	_ =	swait.ge [sflag:s15], $0x1400  }
0x4e: {  	[sflag:s15] =	ssyncset.done $0x0  }
0x4f: {  	[sflag:s15] =	ssyncadd.s32 $0xFFFFEC00  }
0x50: {  	_ =	sfence.sel $0x180000  }
0x51: {  	[bflag:$0x0] =	sbarrier.arrive $0xFFFF  }
0x52: {  	p0 =	sne.s32 s0, $0x0;
	_ =	strace $0x90000050  }
0x53: {  	s0 =	sadd.s32 @!p0 $0x100000, s1;
	[bflag:$0x2] =	sbarrier.arrive $0xFFFF  }
0x54: {  	[sflag:s0] =	ssyncadd.tile.s32 @!p0 $0x1;
	_ =	shalt  }
.Lfunc_end2:
_tile_overlayer_lowered:
.L_overlay_start_2:
0x55: {  	(tag) =	ssettag $0x2  }
0x56: {  	s0 =	rddreg [dreg:$0x0];
	s2 =	stileid.u32  }
0x57: {  	s1 =	rddreg [dreg:$0x1];
	p0 =	sne.s32 s2, $0x0  }
0x58: {  	s3 =	rddreg [dreg:$0x2];
	[bflag:$0x3] =	sbarrier.arrive $0xFFFF;
	s2 =	simm.s32 @!p0 $0x1C02  }
0x59: {  	[timem:s3], [sflag:s2] =	dma.local @!p0 [hbm:s0], s1  }
0x5a: {  	s0 =	simm.s32 @!p0 $0x2  }
0x5b: {  	_ =	swait.ge @!p0 [sflag:s0], s1  }
0x5c: {  	s1 =	ssub.s32 @!p0 $0x0, s1;
	[sflag:s0] =	ssyncset.done @!p0 $0x0  }
0x5d: {  	[sflag:s0] =	ssyncadd.s32 @!p0 s1  }
0x5e: {  	[bflag:$0x3] =	sbarrier.arrive $0xFFFF  }
0x5f: {  	_ =	shalt  }

// kernel: kernel.9.cloned.1.call-start
scs
__scs_entry_jumppad:
0x0: {  	(pc) =	sbr.rel $0x88, $3  }
0x1: {  	(tag) =	ssettag $0x0;
	lr =	simm.s32 $0x1  }
0x2: {  	[smem:$0x3F9B] =	sst lr;
	_ =	strace $0xD0000000  }
0x3: {  	_ = 	snop  }
0x4: {  	_ = 	snop  }
0x5: {  	_ = 	snop  }
0x6: {  	_ = 	snop  }
0x7: {  	_ = 	snop  }
__scs_overlays_trampoline_lowered:
0x8: {  	[smem:$0x3FAA] =	sst s0  }
0x9: {  	[smem:$0x3FAB] =	sst s1  }
0xa: {  	[smem:$0x3FAC] =	sst s2  }
0xb: {  	[smem:$0x3FAD] =	sst s3  }
0xc: {  	[smem:$0x3FAE] =	sst s4  }
0xd: {  	[smem:$0x3FAF] =	sst s5  }
0xe: {  	[smem:$0x3FB0] =	sst s6  }
0xf: {  	[smem:$0x3FB1] =	sst s7  }
0x10: {  	[smem:$0x3FB2] =	sst s8  }
0x11: {  	[smem:$0x3FB3] =	sst s9;
	s0 =	simm.s32 @!p0 $0x0  }
0x12: {  	s1 =	sld [smem:$0x3F99];
	s0 =	simm.s32 @p0 $0x1  }
0x13: {  	[smem:$0x3FB4] =	sst s0;
	s0 =	simm.s32 @!p1 $0x0  }
0x14: {  	s2 =	sld [smem:$0x3F98];
	s0 =	simm.s32 @p1 $0x1  }
0x15: {  	[smem:$0x3FB5] =	sst s0;
	s0 =	simm.s32 @!p2 $0x0  }
0x16: {  	s3 =	sld [smem:$0x3FDB];
	s0 =	simm.s32 @p2 $0x1  }
0x17: {  	s4 =	simm.s32 $0x1BF5;
	[smem:$0x3FB7] =	sst s0  }
0x18: {  	s0 =	sld [smem:$0x3F9A];
	_ =	swait.ge [sflag:s4], $0x0  }
0x19: {  	s7 =	sld [smem:$0x3F9B]  }
0x1a: {  	s8 =	sadd.s32 $0xFFFFE003, lr  }
0x1b: {  	s9 =	sadd.s32 $0xFFFFFEF7, lr;
	s5 =	simm.s32 $0xFFFFFFFF;
	p2 =	slt.u32 s8, $0xFFFFF086  }
0x1c: {  	p1 =	slt.u32 s9, $0xF7A;
	s5 =	simm.s32 @!p2 $0x0  }
0x1d: {  	s5 =	simm.s32 @p1 $0x1;
	p0 =	seq.s32 s7, s2  }
0x1e: {  	s7 =	smul.u32 @!p0 $0xF7A, s2;
	p2 =	seq.s32 @!p0 s5, $0x0  }
0x1f: {  	s9 =	smul.u32 $0xF7A, s1;
	s8 =	simm.s32 @!p0 $0x1BF5;
	p2 =	por !p2, p0  }
0x20: {  	[sflag:s8] =	ssyncset.s32 @!p0 $0xFFFFF086;
	s6 =	sadd.s32 @!p0 s3, s7;
	s7 =	simm.s32 @!p0 $0x108  }
0x21: {  	s3 =	sadd.s32 s3, s9;
	s6 =	sadd.s32 @!p0 $0x88, s6;
	s7 =	simm.s32 @p2 $0x1082  }
0x22: {  	[simem:s7], [sflag:s8] =	dma.local @!p0 [hbm:s6], $0xF7A  }
0x23: {  	s9 =	sor.u32 $0xD0000000, s2;
	s6 =	simm.s32 $0x108;
	_ =	swait.ge @!p0 [sflag:s8], $0x0  }
0x24: {  	s3 =	sadd.s32 $0x88, s3;
	s6 =	simm.s32 @!p1 $0x1082;
	[sflag:s4] =	ssyncset.s32 $0xFFFFF086  }
0x25: {  	[simem:s6], [sflag:s4] =	dma.local [hbm:s3], $0xF7A  }
0x26: {  	[smem:$0x3F9B] =	sst s1;
	(tag) =	ssettag s2;
	_ =	strace s9  }
0x27: {  	s1 =	sld [smem:$0x3FAB]  }
0x28: {  	s2 =	sld [smem:$0x3FAC]  }
0x29: {  	s4 =	sld [smem:$0x3FAE]  }
0x2a: {  	p0 =	seq.s32 s5, $0x0;
	s5 =	sld [smem:$0x3FAF]  }
0x2b: {  	s6 =	sld [smem:$0x3FB0]  }
0x2c: {  	s7 =	sld [smem:$0x3FB1]  }
0x2d: {  	s3 =	simm.s32 $0x108;
	s8 =	sld [smem:$0x3FB2]  }
0x2e: {  	s3 =	simm.s32 @!p0 $0x1082;
	s9 =	sld [smem:$0x3FB3]  }
0x2f: {  	lr =	sadd.s32 s0, s3;
	s0 =	sld [smem:$0x3FAA]  }
0x30: {  	s3 =	sld [smem:$0x3FAD]  }
0x31: {  	[smem:$0x3FB6] =	sst s10  }
0x32: {  	s10 =	sld [smem:$0x3FB4];
	_ =	sdelay $0x3  }
0x33: {  	p0 =	seq.s32 s10, $0x1;
	s10 =	sld [smem:$0x3FB6];
	_ =	sdelay $0x3  }
0x34: {  	[smem:$0x3FB6] =	sst s10  }
0x35: {  	s10 =	sld [smem:$0x3FB5];
	_ =	sdelay $0x3  }
0x36: {  	p1 =	seq.s32 s10, $0x1;
	s10 =	sld [smem:$0x3FB6];
	_ =	sdelay $0x3  }
0x37: {  	[smem:$0x3FB6] =	sst s10  }
0x38: {  	s10 =	sld [smem:$0x3FB7]  }
0x39: {  	_ = 	snop;
	(pc) =	sbr.ind lr, $3  }
0x3a: {  	_ = 	snop  }
0x3b: {  	_ = 	snop  }
0x3c: {  	p2 =	seq.s32 s10, $0x1;
	s10 =	sld [smem:$0x3FB6]  }
0x3d: {  	_ =	shalt  }
0x3e: {  	_ =	shalt  }
0x3f: {  	_ =	shalt  }
0x40: {  	_ =	shalt  }
0x41: {  	_ =	shalt  }
0x42: {  	_ =	shalt  }
0x43: {  	_ =	shalt  }
0x44: {  	_ =	shalt  }
0x45: {  	_ =	shalt  }
0x46: {  	_ =	shalt  }
0x47: {  	_ =	shalt  }
0x48: {  	_ =	shalt  }
0x49: {  	_ =	shalt  }
0x4a: {  	_ =	shalt  }
0x4b: {  	_ =	shalt  }
0x4c: {  	_ =	shalt  }
0x4d: {  	_ =	shalt  }
0x4e: {  	_ =	shalt  }
0x4f: {  	_ =	shalt  }
0x50: {  	_ =	shalt  }
0x51: {  	_ =	shalt  }
0x52: {  	_ =	shalt  }
0x53: {  	_ =	shalt  }
0x54: {  	_ =	shalt  }
0x55: {  	_ =	shalt  }
0x56: {  	_ =	shalt  }
0x57: {  	_ =	shalt  }
0x58: {  	_ =	shalt  }
0x59: {  	_ =	shalt  }
0x5a: {  	_ =	shalt  }
0x5b: {  	_ =	shalt  }
0x5c: {  	_ =	shalt  }
0x5d: {  	_ =	shalt  }
0x5e: {  	_ =	shalt  }
0x5f: {  	_ =	shalt  }
0x60: {  	_ =	shalt  }
0x61: {  	_ =	shalt  }
0x62: {  	_ =	shalt  }
0x63: {  	_ =	shalt  }
0x64: {  	_ =	shalt  }
0x65: {  	_ =	shalt  }
0x66: {  	_ =	shalt  }
0x67: {  	_ =	shalt  }
0x68: {  	_ =	shalt  }
0x69: {  	_ =	shalt  }
0x6a: {  	_ =	shalt  }
0x6b: {  	_ =	shalt  }
0x6c: {  	_ =	shalt  }
0x6d: {  	_ =	shalt  }
0x6e: {  	_ =	shalt  }
0x6f: {  	_ =	shalt  }
0x70: {  	_ =	shalt  }
0x71: {  	_ =	shalt  }
0x72: {  	_ =	shalt  }
0x73: {  	_ =	shalt  }
0x74: {  	_ =	shalt  }
0x75: {  	_ =	shalt  }
0x76: {  	_ =	shalt  }
0x77: {  	_ =	shalt  }
0x78: {  	_ =	shalt  }
0x79: {  	_ =	shalt  }
0x7a: {  	_ =	shalt  }
0x7b: {  	_ =	shalt  }
0x7c: {  	_ =	shalt  }
0x7d: {  	_ =	shalt  }
0x7e: {  	_ =	shalt  }
0x7f: {  	_ =	shalt  }
0x80: {  	_ =	shalt  }
0x81: {  	_ =	shalt  }
0x82: {  	_ =	shalt  }
0x83: {  	_ =	shalt  }
0x84: {  	_ =	shalt  }
0x85: {  	_ =	shalt  }
0x86: {  	_ =	shalt  }
0x87: {  	_ =	shalt  }
.Lfunc_end0:
.L_simem_size_0:
called_computation_lowered:
.L_overlay_start_0:
0x88: {  	s2 =	sld [smem:$0x3FD9]  }
0x89: {  	s3 =	sld [smem:$0x3FFE];
	_ =	sdelay $0x1  }
0x8a: {  	s1 =	srdreg.scid  }
0x8b: {  	s0 =	sand.u32 $0x1, s1  }
0x8c: {  	s17 =	sshll.u32 s0, $0xA;
	s2 =	sadd.s32 s3, s2  }
0x8d: {  	s2 =	sadd.s32 s2, s17  }
0x8e: {  	[smem:$0x3FC2] =	sst s2  }
0x8f: {  	_ = 	snop  }
0x90: {  	s2 =	sld [smem:$0x3FD0];
	(tm) =	ssettm $0x1  }
0x91: {  	s18 =	sld [smem:$0x3FFB];
	_ =	sdelay $0x3  }
0x92: {  	_ =	strace s18  }
0x93: {  	s3 =	sld [smem:$0x3FFC];
	_ =	sdelay $0x3  }
0x94: {  	_ =	strace s3  }
0x95: {  	s3 =	sld [smem:$0x3FFD];
	_ =	sdelay $0x3  }
0x96: {  	_ =	strace s3  }
0x97: {  	_ =	strace $0x8FFFFFFF  }
0x98: {  	s19 =	sld [smem:$0x3FDB];
	_ =	sdelay $0x1  }
0x99: {  	s4 =	simm.s32 $_scs_section_size  }
0x9a: {  	s5 =	simm.s32 $_size__tile_overlayer_lowered;
	s6 =	simm.s32 $_tile_overlayer_lowered  }
0x9b: {  	s22 =	simm.s32 $0x1BFF;
	s21 =	sshll.u32 s6, $0x1;
	s3 =	sadd.s32 s4, s19  }
0x9c: {  	s7 =	simm.s32 $0x0;
	s20 =	sshll.u32 s5, $0x1;
	s5 =	sadd.s32 s21, s3  }
0x9d: {  	[timem:s7], [sflag:s22] =	dma.local [hbm:s5], s20  }
0x9e: {  	_ =	swait.ge [sflag:s22], s20  }
0x9f: {  	s4 =	ssub.s32 $0x0, s20;
	[sflag:s22] =	ssyncset.done $0x0  }
0xa0: {  	[sflag:s22] =	ssyncadd.s32 s4;
	_ =	sdelay $0x1  }
0xa1: {  	s23 =	simm.s32 $0x1B8B  }
0xa2: {  	_ =	swait.ge [sflag:s23], $0x1  }
0xa3: {  	[sflag:s23] =	ssyncset.done $0x0  }
0xa4: {  	s25 =	simm.s32 $0x1B8E;
	s24 =	sld [smem:$0x3FFE];
	[sflag:s23] =	ssyncadd.s32 $0xFFFFFFFF  }
0xa5: {  	s26 =	simm.s32 $execute0_lowered;
	[smem:$0x3FD2] =	sst s25  }
0xa6: {  	s5 =	sshll.u32 s26, $0x1;
	_ =	strace $0x80000046;
	[dreg:$0x1] =	wrdreg $0xFFFFFFFF  }
0xa7: {  	s28 =	simm.s32 $_size_execute0_lowered;
	s3 =	sadd.s32 s3, s5;
	[dreg:$0x0] =	wrdreg $0x0  }
0xa8: {  	s5 =	sshll.u32 s28, $0x1;
	[dreg:$0x2] =	wrdreg s3  }
0xa9: {  	[dreg:$0x3] =	wrdreg s5  }
0xaa: {  	[dreg:$0x4] =	wrdreg $0xC0  }
0xab: {  	_ =	task [dreg:s7], $0x5FFFF  }
0xac: {  	[dreg:$0x1] =	wrdreg $0xFFFFFFFF  }
0xad: {  	[dreg:$0x0] =	wrdreg $0x60  }
0xae: {  	[dreg:$0x2] =	wrdreg s24  }
0xaf: {  	[dreg:$0x3] =	wrdreg s2  }
0xb0: {  	[dreg:$0x4] =	wrdreg $0x9  }
0xb1: {  	_ =	task.clear_ibuf [dreg:s7], $0x5FFFF;
	_ =	strace $0x90000046  }
0xb2: {  	s29 =	simm.s32 $0x9;
	_ =	strace $0x80000048  }
0xb3: {  	_ =	swait.ge [sflag:s29], $0x1  }
0xb4: {  	[sflag:s29] =	ssyncadd.s32 $0xFFFFFFFF  }
0xb5: {  	_ =	strace $0x90000048  }
0xb6: {  	_ =	sfence  }
0xb7: {  	s30 =	sld [smem:$0x0];
	_ =	sdelay $0x2  }
0xb8: {  	s31 =	sshll.u32 s1, $0xD;
	s1 =	sshrl.u32 s1, $0x2  }
0xb9: {  	s3 =	sand.u32 $0x4000, s31;
	s1 =	sadd.s32 s1, s30  }
0xba: {  	s0 =	sor.u32 s3, s0;
	s1 =	sshll.u32 s1, $0x11  }
0xbb: {  	s0 =	sor.u32 s1, s0  }
0xbc: {  	s0 =	sadd.s32 $0x8F2B, s0  }
0xbd: {  	[sflag:s0] =	ssyncadd.remote.s32 $0x1  }
0xbe: {  	_ =	sfence.sel $0xFFFF  }
0xbf: {  	[dreg:$0x0] =	wrdreg $0xFFFFFFFF;
	(pc) =	sbr.abs _section_cstart, $3  }
0xc0: {  	[dreg:$0x1] =	wrdreg $0xFFFFFFFF  }
0xc1: {  	_ =	task.clear_ibuf [dreg:s7], $0x2FFFF;
	_ =	strace $0x9FFFFFFF  }
0xc2: {  	(tm) =	ssettm $0x7FFFFFFF  }
0xc3: {  	_ =	shalt  }
tec
execute0_lowered:
.L_overlay_start_1:
0x0: {  	(tag) =	ssettag $0x1  }
0x1: {  	s3 =	rddreg [dreg:$0x0]  }
0x2: {  	s4 =	rddreg [dreg:$0x1];
	s1 =	srdreg.scid  }
0x3: {  	s0 =	rddreg [dreg:$0x2];
	s2 =	simm.s32 $0x0;
	s10 =	simm.s32 $0x5000  }
0x4: {  	s11 =	simm.s32 $0x7800;
	s12 =	simm.s32 $0x80;
	s5 =	sand.u32 $0x1, s1  }
0x5: {  	s13 =	simm.s32 $0x100;
	s1 =	stileid.u32;
	s6 =	smul.u32 $0x50000, s5  }
0x6: {  	s14 =	simm.s32 $0x0;
	s7 =	sshll.u32 s1, $0x1;
	s8 =	smul.u32 $0x5000, s1  }
0x7: {  	[smem:$0x7FF] =	sst s2;
	s7 =	sor.u32 s5, s7;
	s5 =	ssub.s32 $0x2, s5  }
0x8: {  	s7 =	smul.u32 $0x500, s7;
	s6 =	sadd.s32 s8, s6;
	s31 =	sshrl.u32 s5, $0x1  }
0x9: {  	_ =	strace $0x80000047;
	s6 =	sshrl.u32 s6, $0x3;
	s8 =	ssub.s32 s5, s31  }
0xa: {  	s9 =	sadd.s32 s7, s3;
	s6 =	sadd.s32 s6, s3;
	s4 =	sadd.s32 s4, s7  }
0xb: {  	s7 =	smax.u32 s8, $0x1;
	s8 =	simm.s32 $0x1;
	s3 =	sadd.s32 $0x1E00, s9  }
0xc: {  	v0 =	vimm.f32 $0.0e+00;
	v1 =	vimm.f32 $1.000000000e+00;
	s5 =	sadd.s32 $0xBE00, s6;
	s6 =	sadd.s32 $0xBE10, s6;
	s9 =	simm.s32 $0x2800  }
.LBB2_1:
0xd: {  	[tilespmem:s2], [sflag:$0x1] =	stream.linear.gather [hbm4b:s3+s2], $0x2800, $0x38;
	[tilespmem:$0xA000] =	vst v63  }
0xe: {  	_ =	swait.ge [sflag:s8], $0x2800  }
0xf: {  	[sflag:s8] =	ssyncset.done $0x0  }
0x10: {  	[sflag:s8] =	ssyncadd.s32 $0xFFFFD800  }
0x11: {  	[tilespmem:s9], [sflag:$0x1] =	stream.linear.gather [hbm4b:s4+s2], $0x2800, $0x38;
	[tilespmem:$0xA000] =	vst v63  }
0x12: {  	_ =	swait.ge [sflag:s8], $0x2800  }
0x13: {  	[sflag:s8] =	ssyncset.done $0x0  }
0x14: {  	s15 =	simm.s32 $0x0;
	[sflag:s8] =	ssyncadd.s32 $0xFFFFD800  }
.LBB2_2:
0x15: {  	p0 =	sne.s32 s15, $0x9FC0  }
.Ltmp0:
0x16: {  	_ = 	snop;
	(pc) =	sbr.rel @p0 .LBB2_2-.Ltmp0, $4  }
0x17: {  	_ = 	snop  }
0x18: {  	s16 =	sshra.s32 s15, $0x2  }
0x19: {  	[tilespmem:s16+$0x5000] =	vst v0  }
0x1a: {  	s15 =	sadd.s32 $0x40, s15;
	[tilespmem:s16+$0x7800] =	vst v0  }
0x1b: {  	s15 =	simm.s32 $0x0  }
.LBB2_4:
0x1c: {  	s16 =	sshra.s32 s15, $0x2  }
0x1d: {  	v2 =	vld [tilespmem:s16+$0x0];
	_ =	sdelay $0x7  }
0x1e: {  	[tilespmem:v2+s10+$0x0] =	vst.idx.add.f32.msk $0xffff, v1  }
0x1f: {  	v2 =	vld [tilespmem:s16+$0x2800];
	_ =	sdelay $0x7  }
0x20: {  	[tilespmem:v2+s11+$0x0] =	vst.idx.add.f32.msk $0xffff, v1  }
0x21: {  	v2 =	vld [tilespmem:s16+$0x10];
	_ =	sdelay $0x7  }
0x22: {  	[tilespmem:v2+s10+$0x0] =	vst.idx.add.f32.msk $0xffff, v1  }
0x23: {  	v2 =	vld [tilespmem:s16+$0x2810];
	_ =	sdelay $0x7  }
0x24: {  	[tilespmem:v2+s11+$0x0] =	vst.idx.add.f32.msk $0xffff, v1  }
0x25: {  	v2 =	vld [tilespmem:s16+$0x20];
	_ =	sdelay $0x7  }
0x26: {  	[tilespmem:v2+s10+$0x0] =	vst.idx.add.f32.msk $0xffff, v1  }
0x27: {  	v2 =	vld [tilespmem:s16+$0x2820];
	_ =	sdelay $0x7  }
0x28: {  	[tilespmem:v2+s11+$0x0] =	vst.idx.add.f32.msk $0xffff, v1  }
0x29: {  	v2 =	vld [tilespmem:s16+$0x30];
	_ =	sdelay $0x7  }
0x2a: {  	[tilespmem:v2+s10+$0x0] =	vst.idx.add.f32.msk $0xffff, v1  }
0x2b: {  	v2 =	vld [tilespmem:s16+$0x2830];
	_ =	sdelay $0x7  }
0x2c: {  	[tilespmem:v2+s11+$0x0] =	vst.idx.add.f32.msk $0xffff, v1  }
0x2d: {  	v2 =	vld [tilespmem:s16+$0x40];
	_ =	sdelay $0x7  }
0x2e: {  	[tilespmem:v2+s10+$0x0] =	vst.idx.add.f32.msk $0xffff, v1  }
0x2f: {  	v2 =	vld [tilespmem:s16+$0x2840];
	_ =	sdelay $0x7  }
0x30: {  	[tilespmem:v2+s11+$0x0] =	vst.idx.add.f32.msk $0xffff, v1  }
0x31: {  	v2 =	vld [tilespmem:s16+$0x50];
	_ =	sdelay $0x7  }
0x32: {  	[tilespmem:v2+s10+$0x0] =	vst.idx.add.f32.msk $0xffff, v1  }
0x33: {  	v2 =	vld [tilespmem:s16+$0x2850];
	_ =	sdelay $0x7  }
0x34: {  	[tilespmem:v2+s11+$0x0] =	vst.idx.add.f32.msk $0xffff, v1  }
0x35: {  	v2 =	vld [tilespmem:s16+$0x60];
	_ =	sdelay $0x7  }
0x36: {  	[tilespmem:v2+s10+$0x0] =	vst.idx.add.f32.msk $0xffff, v1  }
0x37: {  	v2 =	vld [tilespmem:s16+$0x2860];
	_ =	sdelay $0x7  }
0x38: {  	[tilespmem:v2+s11+$0x0] =	vst.idx.add.f32.msk $0xffff, v1  }
0x39: {  	v2 =	vld [tilespmem:s16+$0x70];
	_ =	sdelay $0x7  }
0x3a: {  	[tilespmem:v2+s10+$0x0] =	vst.idx.add.f32.msk $0xffff, v1  }
0x3b: {  	v2 =	vld [tilespmem:s16+$0x2870];
	_ =	sdelay $0x2  }
0x3c: {  	p0 =	sne.s32 s15, $0x9E00  }
.Ltmp1:
0x3d: {  	_ = 	snop;
	(pc) =	sbr.rel @p0 .LBB2_4-.Ltmp1, $2  }
0x3e: {  	_ =	sdelay $0x2  }
0x3f: {  	s15 =	sadd.s32 $0x200, s15;
	[tilespmem:v2+s11+$0x0] =	vst.idx.add.f32.msk $0xffff, v1  }
0x40: {  	[hbm4b:s5+s12] =	stream.strided.scatter [tilespmem:s10], [sflag:$0x1], $0x2800, s13, s12, $0x38;
	[tilespmem:$0xA000] =	vst v63  }
0x41: {  	s14 =	sadd.s32 $0x1, s14;
	_ =	swait.ge [sflag:s8], $0x2800  }
0x42: {  	p0 =	sne.s32 s14, s7;
	[sflag:s8] =	ssyncset.done $0x0  }
.Ltmp2:
0x43: {  	[sflag:s8] =	ssyncadd.s32 $0xFFFFD800;
	(pc) =	sbr.rel @p0 .LBB2_1-.Ltmp2, $4  }
0x44: {  	[hbm4b:s6+s12] =	stream.strided.scatter [tilespmem:s11], [sflag:$0x1], $0x2800, s13, s12, $0x38;
	[tilespmem:$0xA000] =	vst v63  }
0x45: {  	_ =	swait.ge [sflag:s8], $0x2800  }
0x46: {  	[sflag:s8] =	ssyncset.done $0x0  }
0x47: {  	[sflag:s8] =	ssyncadd.s32 $0xFFFFD800  }
0x48: {  	_ =	sfence.sel $0x180000  }
0x49: {  	[bflag:$0x0] =	sbarrier.arrive $0xFFFF  }
0x4a: {  	p0 =	sne.s32 s1, $0x0;
	_ =	strace $0x90000047  }
0x4b: {  	s0 =	sadd.s32 @!p0 $0x100000, s0;
	[bflag:$0x2] =	sbarrier.arrive $0xFFFF  }
0x4c: {  	[sflag:s0] =	ssyncadd.tile.s32 @!p0 $0x1;
	_ =	shalt  }
.Lfunc_end2:
_tile_overlayer_lowered:
.L_overlay_start_2:
0x4d: {  	(tag) =	ssettag $0x2  }
0x4e: {  	s0 =	rddreg [dreg:$0x0];
	s2 =	stileid.u32  }
0x4f: {  	s1 =	rddreg [dreg:$0x1];
	p0 =	sne.s32 s2, $0x0  }
0x50: {  	s3 =	rddreg [dreg:$0x2];
	[bflag:$0x3] =	sbarrier.arrive $0xFFFF;
	s2 =	simm.s32 @!p0 $0x1C01  }
0x51: {  	[timem:s3], [sflag:s2] =	dma.local @!p0 [hbm:s0], s1  }
0x52: {  	s0 =	simm.s32 @!p0 $0x1  }
0x53: {  	_ =	swait.ge @!p0 [sflag:s0], s1  }
0x54: {  	s1 =	ssub.s32 @!p0 $0x0, s1;
	[sflag:s0] =	ssyncset.done @!p0 $0x0  }
0x55: {  	[sflag:s0] =	ssyncadd.s32 @!p0 s1  }
0x56: {  	[bflag:$0x3] =	sbarrier.arrive $0xFFFF  }
0x57: {  	_ =	shalt  }

</sc_bundles>
